<compile_context>
chip_gen: v7x
topology: tpu7x:2x2x1
jax: 0.10.2.dev20260603
libtpu: 0.0.44.dev20260713+nightly
codegen_flags: <defaults>
</compile_context>

<pallas_src>
import dataclasses
import functools
from math import pi as PI

import jax
import jax.numpy as jnp
from jax import lax
from jax.experimental import pallas as pl
from jax.experimental.pallas import tpu as pltpu
from jax.experimental.pallas import tpu_sc as plsc

H = 128
NG = 50
TAB = 100
N = 10000
E = 320000
G = 256
CUT = 10.0
LOG2 = 0.6931471805599453

NC, NS, LANES = 2, 16, 16
NW = NC * NS
EPW = E // NW
N_PAD = 10240
RPS = N_PAD // NS
K = 80

EB = 2560
NBLK = E // EB

def _sc_params():
    cp = pltpu.CompilerParams()
    if "needs_layout_passes" in pltpu.CompilerParams.__dataclass_fields__:
        cp = dataclasses.replace(cp, needs_layout_passes=False)
    return cp


def _sc_mesh():
    return plsc.VectorSubcoreMesh(core_axis_name="c", subcore_axis_name="s",
                                  num_cores=NC, num_subcores=NS)


def _ssp(x):
    return jnp.maximum(x, 0.0) + jnp.log(1.0 + jnp.exp(-jnp.abs(x))) - LOG2




def _edge_prep_body(src_h, dst_h, an_h, cx_h, cy_h, cz_h, a2_out, d2_out,
                    src_v, dst_v, an_v, cx_v, cy_v, cz_v, a2_v, d2_v):
    c = lax.axis_index("c")
    s = lax.axis_index("s")
    wid = s * NC + c
    base = wid * EPW
    pltpu.sync_copy(src_h.at[pl.ds(base, EPW)], src_v)
    pltpu.sync_copy(dst_h.at[pl.ds(base, EPW)], dst_v)
    pltpu.sync_copy(an_h, an_v)
    pltpu.sync_copy(cx_h, cx_v)
    pltpu.sync_copy(cy_h, cy_v)
    pltpu.sync_copy(cz_h, cz_v)

    @pl.loop(0, EPW // LANES)
    def _(i):
        sl = pl.ds(i * LANES, LANES)
        sv = src_v[sl]
        dv = dst_v[sl]
        a2 = plsc.load_gather(an_v, [sv])
        xs = plsc.load_gather(cx_v, [sv])
        xd = plsc.load_gather(cx_v, [dv])
        ys = plsc.load_gather(cy_v, [sv])
        yd = plsc.load_gather(cy_v, [dv])
        zs = plsc.load_gather(cz_v, [sv])
        zd = plsc.load_gather(cz_v, [dv])
        dx = xs - xd
        dy = ys - yd
        dz = zs - zd
        a2_v[sl] = a2
        d2_v[sl] = dx * dx + dy * dy + dz * dz

    pltpu.sync_copy(a2_v, a2_out.at[pl.ds(base, EPW)])
    pltpu.sync_copy(d2_v, d2_out.at[pl.ds(base, EPW)])


def _edge_prep(src, dst, atomic_ns, cx, cy, cz):
    return pl.kernel(
        _edge_prep_body,
        out_type=(jax.ShapeDtypeStruct((E,), jnp.int32),
                  jax.ShapeDtypeStruct((E,), jnp.float32)),
        mesh=_sc_mesh(),
        scratch_types=[
            pltpu.VMEM((EPW,), jnp.int32),
            pltpu.VMEM((EPW,), jnp.int32),
            pltpu.VMEM((N,), jnp.int32),
            pltpu.VMEM((N,), jnp.float32),
            pltpu.VMEM((N,), jnp.float32),
            pltpu.VMEM((N,), jnp.float32),
            pltpu.VMEM((EPW,), jnp.int32),
            pltpu.VMEM((EPW,), jnp.float32),
        ],
        compiler_params=_sc_params(),
    )(src, dst, atomic_ns, cx, cy, cz)




def _scalar_prep_body(d2_ref, ew_ref, cut_ref):
    d2 = d2_ref[...]
    ew = jnp.sqrt(d2)
    cut = 0.5 * (jnp.cos(ew * (PI / CUT)) + 1.0)
    cut_ref[...] = cut * (ew < CUT).astype(jnp.float32)
    ew_ref[...] = ew


def _scalar_prep(d2):
    return pl.pallas_call(
        _scalar_prep_body,
        out_shape=(jax.ShapeDtypeStruct((E // 320, 320), jnp.float32),
                   jax.ShapeDtypeStruct((E // 320, 320), jnp.float32)),
    )(d2.reshape(E // 320, 320))




def _edge_mlp_body(a2_ref, ew_ref, cut_ref, emb_ref, nlw_ref, e1w_ref,
                   e1b_ref, e2w_ref, e2b_ref, out_ref, hw_ref):
    i = pl.program_id(0)

    @pl.when(i == 0)
    def _():
        hw_ref[...] = jnp.dot(emb_ref[...], nlw_ref[...],
                              preferred_element_type=jnp.float32)

    a2 = a2_ref[...]
    ew = ew_ref[...]
    cutoff = cut_ref[...]
    step = CUT / (NG - 1)
    offs = lax.broadcasted_iota(jnp.int32, (1, NG), 1).astype(jnp.float32) * step
    coeff = -0.5 / step ** 2
    g = jnp.exp(coeff * (ew - offs) ** 2)
    t1 = _ssp(jnp.dot(g, e1w_ref[...], preferred_element_type=jnp.float32)
              + e1b_ref[...])
    w = jnp.dot(t1, e2w_ref[...], preferred_element_type=jnp.float32) \
        + e2b_ref[...]
    onehot = (a2 == lax.broadcasted_iota(jnp.int32, (1, TAB), 1))
    hsrc = jnp.dot(onehot.astype(jnp.float32), hw_ref[...],
                   preferred_element_type=jnp.float32)
    out_ref[...] = hsrc * (w * cutoff)


def _edge_mlp(a2, ew, cut, emb, nlw, e1w, e1b, e2w, e2b):
    return pl.pallas_call(
        _edge_mlp_body,
        grid=(NBLK,),
        in_specs=[
            pl.BlockSpec((EB, 1), lambda i: (i, 0)),
            pl.BlockSpec((EB, 1), lambda i: (i, 0)),
            pl.BlockSpec((EB, 1), lambda i: (i, 0)),
            pl.BlockSpec((TAB, H), lambda i: (0, 0)),
            pl.BlockSpec((H, H), lambda i: (0, 0)),
            pl.BlockSpec((NG, H), lambda i: (0, 0)),
            pl.BlockSpec((H,), lambda i: (0,)),
            pl.BlockSpec((H, H), lambda i: (0, 0)),
            pl.BlockSpec((H,), lambda i: (0,)),
        ],
        out_specs=pl.BlockSpec((EB, H), lambda i: (i, 0)),
        out_shape=jax.ShapeDtypeStruct((E, H), jnp.float32),
        scratch_shapes=[pltpu.VMEM((TAB, H), jnp.float32)],
        compiler_params=pltpu.CompilerParams(
            dimension_semantics=("arbitrary",)),
    )(a2, ew, cut, emb, nlw, e1w, e1b, e2w, e2b)




NCH = EPW // K


def _scatter_body(dst_h, eo_h, z_h, out_h, idx_v, rows_v, agg_sh, sems):
    c = lax.axis_index("c")
    s = lax.axis_index("s")
    wid = s * NC + c
    base = wid * EPW
    pltpu.sync_copy(z_h, agg_sh.at[pl.ds(s * RPS, RPS)])
    pltpu.sync_copy(dst_h.at[wid], idx_v)
    plsc.subcore_barrier()

    def _start(t, b):
        pltpu.make_async_copy(eo_h.at[pl.ds(base + t * K, K)],
                              rows_v.at[b], sems.at[b]).start()

    def _wait(t, b):
        pltpu.make_async_copy(eo_h.at[pl.ds(base + t * K, K)],
                              rows_v.at[b], sems.at[b]).wait()

    def _scat(t, b):
        pltpu.sync_copy(rows_v.at[b], agg_sh.at[idx_v.at[t]], add=True)

    _start(0, 0)

    @pl.loop(0, (NCH - 1) // 2)
    def _(u):
        t0 = 2 * u
        _start(t0 + 1, 1)
        _wait(t0, 0)
        _scat(t0, 0)
        _start(t0 + 2, 0)
        _wait(t0 + 1, 1)
        _scat(t0 + 1, 1)

    _wait(NCH - 1, 0)
    _scat(NCH - 1, 0)

    plsc.subcore_barrier()
    pltpu.sync_copy(agg_sh.at[pl.ds(s * RPS, RPS)],
                    out_h.at[c].at[pl.ds(s * RPS, RPS)])


def _scatter_add(dst, edge_out):
    z = jnp.zeros((RPS, H), jnp.float32)
    return pl.kernel(
        _scatter_body,
        out_type=jax.ShapeDtypeStruct((NC, N_PAD, H), jnp.float32),
        mesh=_sc_mesh(),
        scratch_types=[
            pltpu.VMEM((NCH, K), jnp.int32),
            pltpu.VMEM((2, K, H), jnp.float32),
            pltpu.VMEM_SHARED((N_PAD, H), jnp.float32),
            pltpu.SemaphoreType.DMA((2,)),
        ],
        compiler_params=_sc_params(),
    )(dst.reshape(NW, NCH, K), edge_out, z)




def _node_post_body(aggp_ref, an_ref, bv_ref, emb_ref, n1w_ref, n1b_ref,
                    n2w_ref, n2b_ref, p1w_ref, p1b_ref, p2w_ref, p2b_ref,
                    node_out_ref, graph_ref):
    agg = aggp_ref[0, pl.ds(0, N), :] + aggp_ref[1, pl.ds(0, N), :]
    upd = jnp.dot(_ssp(jnp.dot(agg, n1w_ref[...],
                               preferred_element_type=jnp.float32)
                       + n1b_ref[...]),
                  n2w_ref[...], preferred_element_type=jnp.float32) \
        + n2b_ref[...]
    an = an_ref[...]
    onehot_a = (an == lax.broadcasted_iota(jnp.int32, (1, TAB), 1))
    node_embs = jnp.dot(onehot_a.astype(jnp.float32), emb_ref[...],
                        preferred_element_type=jnp.float32)
    x = node_embs + upd
    no = jnp.dot(_ssp(jnp.dot(x, p1w_ref[...],
                              preferred_element_type=jnp.float32)
                      + p1b_ref[...]),
                 p2w_ref[...], preferred_element_type=jnp.float32) \
        + p2b_ref[...]
    node_out_ref[...] = no
    bv = bv_ref[...]
    onehot_b = (bv == lax.broadcasted_iota(jnp.int32, (1, G), 1))
    graph_ref[...] = lax.dot_general(
        onehot_b.astype(jnp.float32), no,
        dimension_numbers=(((0,), (0,)), ((), ())),
        preferred_element_type=jnp.float32)


def _node_post(aggp, an, bv, emb, n1w, n1b, n2w, n2b, p1w, p1b, p2w, p2b):
    return pl.pallas_call(
        _node_post_body,
        out_shape=(jax.ShapeDtypeStruct((N, 1), jnp.float32),
                   jax.ShapeDtypeStruct((G, 1), jnp.float32)),
    )(aggp, an, bv, emb, n1w, n1b, n2w, n2b, p1w, p1b, p2w, p2b)




def kernel(atomic_ns, edge_index, coords, batch_node_vec, emb, node_lin_w,
           e1_w, e1_b, e2_w, e2_b, n1_w, n1_b, n2_w, n2_b,
           p1_w, p1_b, p2_w, p2_b):
    src = edge_index[0]
    dst = edge_index[1]
    cx = coords[:, 0]
    cy = coords[:, 1]
    cz = coords[:, 2]
    a2, d2 = _edge_prep(src, dst, atomic_ns.astype(jnp.int32), cx, cy, cz)
    ew, cut = _scalar_prep(d2)
    edge_out = _edge_mlp(a2.reshape(E, 1), ew.reshape(E, 1), cut.reshape(E, 1),
                         emb, node_lin_w, e1_w, e1_b, e2_w, e2_b)
    aggp = _scatter_add(dst, edge_out)
    node_out, graph_emb = _node_post(
        aggp, atomic_ns.astype(jnp.int32).reshape(N, 1),
        batch_node_vec.astype(jnp.int32).reshape(N, 1), emb,
        n1_w, n1_b, n2_w, n2_b, p1_w, p1_b, p2_w, p2_b)
    return node_out, graph_emb

# --- scband reference (transcript-rebuilt; emitter-appended) ---
"""Pipeline reference for scband-sch-net-encoder-3874060501584 (READ-ONLY COPY).

The authoritative reference and input builder live on the scoring server;
editing this copy changes nothing except your own understanding.
"""

import jax, jax.numpy as jnp
import numpy as np
from math import pi as PI

H_NF = 128
N_FILTERS = 128
N_GAUSS = 50
CUTOFF = 10.0
POSS_ELEMS = 100
N_NODES = 10000
N_EDGES = 320000
N_GRAPHS = 256


def ssp(x):
    # ShiftedSoftplus
    return jax.nn.softplus(x) - jnp.log(2.0)


def setup_inputs(seed: int = 0) -> dict:
    key = jax.random.key(seed)
    ks = jax.random.split(key, 20)
    atomic_ns = jax.random.randint(ks[0], (N_NODES,), 0, POSS_ELEMS)
    edge_index = jax.random.randint(ks[1], (2, N_EDGES), 0, N_NODES)
    coords = jax.random.normal(ks[2], (N_NODES, 3), dtype=jnp.float32)
    batch_node_vec = jnp.sort(jax.random.randint(ks[3], (N_NODES,), 0, N_GRAPHS))
    s = lambda fan_in: 1.0 / np.sqrt(fan_in)
    return {
        "atomic_ns": atomic_ns,
        "edge_index": edge_index,
        "coords": coords,
        "batch_node_vec": batch_node_vec,
        "emb": jax.random.normal(ks[4], (POSS_ELEMS, H_NF), dtype=jnp.float32),
        "node_lin_w": jax.random.normal(ks[5], (H_NF, N_FILTERS), dtype=jnp.float32) * s(H_NF),
        "e1_w": jax.random.normal(ks[6], (N_GAUSS, N_FILTERS), dtype=jnp.float32) * s(N_GAUSS),
        "e1_b": jnp.zeros((N_FILTERS,), dtype=jnp.float32),
        "e2_w": jax.random.normal(ks[7], (N_FILTERS, N_FILTERS), dtype=jnp.float32) * s(N_FILTERS),
        "e2_b": jnp.zeros((N_FILTERS,), dtype=jnp.float32),
        "n1_w": jax.random.normal(ks[8], (N_FILTERS, H_NF), dtype=jnp.float32) * s(N_FILTERS),
        "n1_b": jnp.zeros((H_NF,), dtype=jnp.float32),
        "n2_w": jax.random.normal(ks[9], (H_NF, H_NF), dtype=jnp.float32) * s(H_NF),
        "n2_b": jnp.zeros((H_NF,), dtype=jnp.float32),
        "p1_w": jax.random.normal(ks[10], (H_NF, H_NF // 2), dtype=jnp.float32) * s(H_NF),
        "p1_b": jnp.zeros((H_NF // 2,), dtype=jnp.float32),
        "p2_w": jax.random.normal(ks[11], (H_NF // 2, 1), dtype=jnp.float32) * s(H_NF // 2),
        "p2_b": jnp.zeros((1,), dtype=jnp.float32),
    }


def reference(atomic_ns, edge_index, coords, batch_node_vec, emb, node_lin_w,
              e1_w, e1_b, e2_w, e2_b, n1_w, n1_b, n2_w, n2_b,
              p1_w, p1_b, p2_w, p2_b):
    # ---- SchNetInit ----
    node_embs = jnp.take(emb, atomic_ns, axis=0)                    # [N, h_nf]
    node_is = edge_index[0]
    node_js = edge_index[1]
    diff = coords[node_is] - coords[node_js]
    edge_weights = jnp.linalg.norm(diff, axis=-1)                   # [E]
    offset = jnp.linspace(0.0, CUTOFF, N_GAUSS)
    coeff = -0.5 / (offset[1] - offset[0]) ** 2
    edge_embs = jnp.exp(coeff * (edge_weights[:, None] - offset[None, :]) ** 2)  # [E, n_gauss]
    # ---- SchNetUpdate (n_layers=1) ----
    # edge_update: node_lin + cfconv filter
    h = node_embs @ node_lin_w                                      # [N, n_filters]
    cutoffs = 0.5 * (jnp.cos(edge_weights * PI / CUTOFF) + 1.0)
    cutoffs = cutoffs * (edge_weights < CUTOFF).astype(jnp.float32)
    W = ssp(edge_embs @ e1_w + e1_b) @ e2_w + e2_b                  # [E, n_filters]
    W = W * cutoffs[:, None]
    edge_embs_out = h[node_is] * W                                  # [E, n_filters]
    # node_update: scatter-add over dst nodes + MLP + residual
    agg = jax.ops.segment_sum(edge_embs_out, node_js, num_segments=N_NODES)  # [N, n_filters]
    upd = ssp(agg @ n1_w + n1_b) @ n2_w + n2_b                      # [N, h_nf]
    node_embs = node_embs + upd
    # ---- SchNetPost ----
    node_out = ssp(node_embs @ p1_w + p1_b) @ p2_w + p2_b           # [N, 1]
    graph_emb = jax.ops.segment_sum(node_out, batch_node_vec, num_segments=N_GRAPHS)  # [G, 1]
    return (node_out, graph_emb)

if __name__ == "__main__":
    import jax
    _d = setup_inputs()
    print(jax.jit(kernel)(*tuple(_d.values())))

</pallas_src>

<mosaic_0001>
#map = affine_map<(d0, d1) -> (0)>
module attributes {stable_mosaic.version = 14 : i64} {
  func.func @_edge_prep_body(%arg0: i32, %arg1: i32, %arg2: memref<320000xi32, #tpu.memory_space<hbm>>, %arg3: memref<320000xi32, #tpu.memory_space<hbm>>, %arg4: memref<10000xi32, #tpu.memory_space<hbm>>, %arg5: memref<10000xf32, #tpu.memory_space<hbm>>, %arg6: memref<10000xf32, #tpu.memory_space<hbm>>, %arg7: memref<10000xf32, #tpu.memory_space<hbm>>, %arg8: memref<320000xi32, #tpu.memory_space<hbm>>, %arg9: memref<320000xf32, #tpu.memory_space<hbm>>, %arg10: memref<10000xi32, #tpu.memory_space<vmem>>, %arg11: memref<10000xi32, #tpu.memory_space<vmem>>, %arg12: memref<10000xi32, #tpu.memory_space<vmem>>, %arg13: memref<10000xf32, #tpu.memory_space<vmem>>, %arg14: memref<10000xf32, #tpu.memory_space<vmem>>, %arg15: memref<10000xf32, #tpu.memory_space<vmem>>, %arg16: memref<10000xi32, #tpu.memory_space<vmem>>, %arg17: memref<10000xf32, #tpu.memory_space<vmem>>) attributes {dimension_semantics = [#tpu.dimension_semantics<core_parallel>, #tpu.dimension_semantics<subcore_parallel>], iteration_bounds = array<i64: 2, 16>, scalar_prefetch = 0 : i64, scratch_operands = 8 : i64, tpu.core_type = #tpu.core_type<sc_vector_subcore>, window_params = [{transform_indices = #map}, {transform_indices = #map}, {transform_indices = #map}, {transform_indices = #map}, {transform_indices = #map}, {transform_indices = #map}, {transform_indices = #map}, {transform_indices = #map}]} {
    %mul3A = arith.constant 2 : i32
    %mul3A_0 = arith.muli %arg1, %mul3A : i32
    %add3A = arith.addi %mul3A_0, %arg0 : i32
    %mul3A_1 = arith.constant 10000 : i32
    %mul3A_2 = arith.muli %add3A, %mul3A_1 : i32
    "tpu.region"() ({
      %run_scoped3A = tpu.sem_alloc : memref<!tpu.dma_semaphore, #tpu.memory_space<semaphore_mem>>
      %dma_start3A = tpu.memref_slice %arg2[%mul3A_2] : memref<320000xi32, #tpu.memory_space<hbm>> -> memref<10000xi32, #tpu.memory_space<hbm>>
      %dma_start3A_7 = tpu.memref_slice %arg2[%mul3A_2] : memref<320000xi32, #tpu.memory_space<hbm>> -> memref<10000xi32, #tpu.memory_space<hbm>>
      tpu.enqueue_dma source(%dma_start3A_7 : memref<10000xi32, #tpu.memory_space<hbm>>) target(%arg10 : memref<10000xi32, #tpu.memory_space<vmem>>) target_semaphore(%run_scoped3A : memref<!tpu.dma_semaphore, #tpu.memory_space<semaphore_mem>>)
      %dma_wait3A = tpu.memref_slice %arg2[%mul3A_2] : memref<320000xi32, #tpu.memory_space<hbm>> -> memref<10000xi32, #tpu.memory_space<hbm>>
      %dma_wait3A_8 = tpu.memref_slice %arg2[%mul3A_2] : memref<320000xi32, #tpu.memory_space<hbm>> -> memref<10000xi32, #tpu.memory_space<hbm>>
      tpu.wait_dma2 semaphore(%run_scoped3A : memref<!tpu.dma_semaphore, #tpu.memory_space<semaphore_mem>>) src(%dma_wait3A_8 : memref<10000xi32, #tpu.memory_space<hbm>>) dst(%arg10 : memref<10000xi32, #tpu.memory_space<vmem>>)
      tpu.yield
    }) : () -> ()
    "tpu.region"() ({
      %run_scoped3A = tpu.sem_alloc : memref<!tpu.dma_semaphore, #tpu.memory_space<semaphore_mem>>
      %dma_start3A = tpu.memref_slice %arg3[%mul3A_2] : memref<320000xi32, #tpu.memory_space<hbm>> -> memref<10000xi32, #tpu.memory_space<hbm>>
      %dma_start3A_7 = tpu.memref_slice %arg3[%mul3A_2] : memref<320000xi32, #tpu.memory_space<hbm>> -> memref<10000xi32, #tpu.memory_space<hbm>>
      tpu.enqueue_dma source(%dma_start3A_7 : memref<10000xi32, #tpu.memory_space<hbm>>) target(%arg11 : memref<10000xi32, #tpu.memory_space<vmem>>) target_semaphore(%run_scoped3A : memref<!tpu.dma_semaphore, #tpu.memory_space<semaphore_mem>>)
      %dma_wait3A = tpu.memref_slice %arg3[%mul3A_2] : memref<320000xi32, #tpu.memory_space<hbm>> -> memref<10000xi32, #tpu.memory_space<hbm>>
      %dma_wait3A_8 = tpu.memref_slice %arg3[%mul3A_2] : memref<320000xi32, #tpu.memory_space<hbm>> -> memref<10000xi32, #tpu.memory_space<hbm>>
      tpu.wait_dma2 semaphore(%run_scoped3A : memref<!tpu.dma_semaphore, #tpu.memory_space<semaphore_mem>>) src(%dma_wait3A_8 : memref<10000xi32, #tpu.memory_space<hbm>>) dst(%arg11 : memref<10000xi32, #tpu.memory_space<vmem>>)
      tpu.yield
    }) : () -> ()
    "tpu.region"() ({
      %run_scoped3A = tpu.sem_alloc : memref<!tpu.dma_semaphore, #tpu.memory_space<semaphore_mem>>
      tpu.enqueue_dma source(%arg4 : memref<10000xi32, #tpu.memory_space<hbm>>) target(%arg12 : memref<10000xi32, #tpu.memory_space<vmem>>) target_semaphore(%run_scoped3A : memref<!tpu.dma_semaphore, #tpu.memory_space<semaphore_mem>>)
      tpu.wait_dma2 semaphore(%run_scoped3A : memref<!tpu.dma_semaphore, #tpu.memory_space<semaphore_mem>>) src(%arg4 : memref<10000xi32, #tpu.memory_space<hbm>>) dst(%arg12 : memref<10000xi32, #tpu.memory_space<vmem>>)
      tpu.yield
    }) : () -> ()
    "tpu.region"() ({
      %run_scoped3A = tpu.sem_alloc : memref<!tpu.dma_semaphore, #tpu.memory_space<semaphore_mem>>
      tpu.enqueue_dma source(%arg5 : memref<10000xf32, #tpu.memory_space<hbm>>) target(%arg13 : memref<10000xf32, #tpu.memory_space<vmem>>) target_semaphore(%run_scoped3A : memref<!tpu.dma_semaphore, #tpu.memory_space<semaphore_mem>>)
      tpu.wait_dma2 semaphore(%run_scoped3A : memref<!tpu.dma_semaphore, #tpu.memory_space<semaphore_mem>>) src(%arg5 : memref<10000xf32, #tpu.memory_space<hbm>>) dst(%arg13 : memref<10000xf32, #tpu.memory_space<vmem>>)
      tpu.yield
    }) : () -> ()
    "tpu.region"() ({
      %run_scoped3A = tpu.sem_alloc : memref<!tpu.dma_semaphore, #tpu.memory_space<semaphore_mem>>
      tpu.enqueue_dma source(%arg6 : memref<10000xf32, #tpu.memory_space<hbm>>) target(%arg14 : memref<10000xf32, #tpu.memory_space<vmem>>) target_semaphore(%run_scoped3A : memref<!tpu.dma_semaphore, #tpu.memory_space<semaphore_mem>>)
      tpu.wait_dma2 semaphore(%run_scoped3A : memref<!tpu.dma_semaphore, #tpu.memory_space<semaphore_mem>>) src(%arg6 : memref<10000xf32, #tpu.memory_space<hbm>>) dst(%arg14 : memref<10000xf32, #tpu.memory_space<vmem>>)
      tpu.yield
    }) : () -> ()
    "tpu.region"() ({
      %run_scoped3A = tpu.sem_alloc : memref<!tpu.dma_semaphore, #tpu.memory_space<semaphore_mem>>
      tpu.enqueue_dma source(%arg7 : memref<10000xf32, #tpu.memory_space<hbm>>) target(%arg15 : memref<10000xf32, #tpu.memory_space<vmem>>) target_semaphore(%run_scoped3A : memref<!tpu.dma_semaphore, #tpu.memory_space<semaphore_mem>>)
      tpu.wait_dma2 semaphore(%run_scoped3A : memref<!tpu.dma_semaphore, #tpu.memory_space<semaphore_mem>>) src(%arg7 : memref<10000xf32, #tpu.memory_space<hbm>>) dst(%arg15 : memref<10000xf32, #tpu.memory_space<vmem>>)
      tpu.yield
    }) : () -> ()
    %scan3A = arith.constant 0 : i32
    %scan3A_3 = arith.constant 625 : i32
    %scan3A_4 = arith.addi %scan3A, %scan3A_3 : i32
    %scan3A_5 = arith.constant 1 : i32
    scf.for %scan3A_7 = %scan3A to %scan3A_4 step %scan3A_5  : i32 {
      %mul3A_8 = arith.constant 1 : i32
      %mul3A_9 = arith.muli %scan3A_7, %mul3A_8 : i32
      %add3A_10 = arith.constant 0 : i32
      %add3A_11 = arith.addi %add3A_10, %mul3A_9 : i32
      %mul3A_12 = arith.constant 16 : i32
      %mul3A_13 = arith.muli %add3A_11, %mul3A_12 : i32
      %get3A = arith.index_cast %mul3A_13 : i32 to index
      %get3A_14 = tpu.vector_load %arg10[%get3A] {strides = array<i32>} : memref<10000xi32, #tpu.memory_space<vmem>>, vector<16xi32>,
      %get3A_15 = arith.index_cast %mul3A_13 : i32 to index
      %get3A_16 = tpu.vector_load %arg11[%get3A_15] {strides = array<i32>} : memref<10000xi32, #tpu.memory_space<vmem>>, vector<16xi32>,
      %gather3A = tpu.vector_load_idx %arg12[%get3A_14] : memref<10000xi32, #tpu.memory_space<vmem>>[vector<16xi32>], vector<16xi32>,
      %gather3A_17 = tpu.vector_load_idx %arg13[%get3A_14] : memref<10000xf32, #tpu.memory_space<vmem>>[vector<16xi32>], vector<16xf32>,
      %gather3A_18 = tpu.vector_load_idx %arg13[%get3A_16] : memref<10000xf32, #tpu.memory_space<vmem>>[vector<16xi32>], vector<16xf32>,
      %gather3A_19 = tpu.vector_load_idx %arg14[%get3A_14] : memref<10000xf32, #tpu.memory_space<vmem>>[vector<16xi32>], vector<16xf32>,
      %gather3A_20 = tpu.vector_load_idx %arg14[%get3A_16] : memref<10000xf32, #tpu.memory_space<vmem>>[vector<16xi32>], vector<16xf32>,
      %gather3A_21 = tpu.vector_load_idx %arg15[%get3A_14] : memref<10000xf32, #tpu.memory_space<vmem>>[vector<16xi32>], vector<16xf32>,
      %gather3A_22 = tpu.vector_load_idx %arg15[%get3A_16] : memref<10000xf32, #tpu.memory_space<vmem>>[vector<16xi32>], vector<16xf32>,
      %sub3A = arith.subf %gather3A_17, %gather3A_18 : vector<16xf32>
      %sub3A_23 = arith.subf %gather3A_19, %gather3A_20 : vector<16xf32>
      %sub3A_24 = arith.subf %gather3A_21, %gather3A_22 : vector<16xf32>
      %swap3A = arith.index_cast %mul3A_13 : i32 to index
      %swap3A_25 = tpu.vector_load %arg16[%swap3A] {strides = array<i32>} : memref<10000xi32, #tpu.memory_space<vmem>>, vector<16xi32>,
      tpu.vector_store %arg16[%swap3A], %gather3A {strides = array<i32>} : memref<10000xi32, #tpu.memory_space<vmem>>, vector<16xi32>,
      %mul3A_26 = arith.mulf %sub3A, %sub3A : vector<16xf32>
      %mul3A_27 = arith.mulf %sub3A_23, %sub3A_23 : vector<16xf32>
      %add3A_28 = arith.addf %mul3A_26, %mul3A_27 : vector<16xf32>
      %mul3A_29 = arith.mulf %sub3A_24, %sub3A_24 : vector<16xf32>
      %add3A_30 = arith.addf %add3A_28, %mul3A_29 : vector<16xf32>
      %swap3A_31 = arith.index_cast %mul3A_13 : i32 to index
      %swap3A_32 = tpu.vector_load %arg17[%swap3A_31] {strides = array<i32>} : memref<10000xf32, #tpu.memory_space<vmem>>, vector<16xf32>,
      tpu.vector_store %arg17[%swap3A_31], %add3A_30 {strides = array<i32>} : memref<10000xf32, #tpu.memory_space<vmem>>, vector<16xf32>,
    }
    %scan3A_6 = arith.constant 625 : i32
    "tpu.region"() ({
      %run_scoped3A = tpu.sem_alloc : memref<!tpu.dma_semaphore, #tpu.memory_space<semaphore_mem>>
      %dma_start3A = tpu.memref_slice %arg8[%mul3A_2] : memref<320000xi32, #tpu.memory_space<hbm>> -> memref<10000xi32, #tpu.memory_space<hbm>>
      %dma_start3A_7 = tpu.memref_slice %arg8[%mul3A_2] : memref<320000xi32, #tpu.memory_space<hbm>> -> memref<10000xi32, #tpu.memory_space<hbm>>
      tpu.enqueue_dma source(%arg16 : memref<10000xi32, #tpu.memory_space<vmem>>) target(%dma_start3A_7 : memref<10000xi32, #tpu.memory_space<hbm>>) target_semaphore(%run_scoped3A : memref<!tpu.dma_semaphore, #tpu.memory_space<semaphore_mem>>)
      %dma_wait3A = tpu.memref_slice %arg8[%mul3A_2] : memref<320000xi32, #tpu.memory_space<hbm>> -> memref<10000xi32, #tpu.memory_space<hbm>>
      %dma_wait3A_8 = tpu.memref_slice %arg8[%mul3A_2] : memref<320000xi32, #tpu.memory_space<hbm>> -> memref<10000xi32, #tpu.memory_space<hbm>>
      tpu.wait_dma2 semaphore(%run_scoped3A : memref<!tpu.dma_semaphore, #tpu.memory_space<semaphore_mem>>) src(%arg16 : memref<10000xi32, #tpu.memory_space<vmem>>) dst(%dma_wait3A_8 : memref<10000xi32, #tpu.memory_space<hbm>>)
      tpu.yield
    }) : () -> ()
    "tpu.region"() ({
      %run_scoped3A = tpu.sem_alloc : memref<!tpu.dma_semaphore, #tpu.memory_space<semaphore_mem>>
      %dma_start3A = tpu.memref_slice %arg9[%mul3A_2] : memref<320000xf32, #tpu.memory_space<hbm>> -> memref<10000xf32, #tpu.memory_space<hbm>>
      %dma_start3A_7 = tpu.memref_slice %arg9[%mul3A_2] : memref<320000xf32, #tpu.memory_space<hbm>> -> memref<10000xf32, #tpu.memory_space<hbm>>
      tpu.enqueue_dma source(%arg17 : memref<10000xf32, #tpu.memory_space<vmem>>) target(%dma_start3A_7 : memref<10000xf32, #tpu.memory_space<hbm>>) target_semaphore(%run_scoped3A : memref<!tpu.dma_semaphore, #tpu.memory_space<semaphore_mem>>)
      %dma_wait3A = tpu.memref_slice %arg9[%mul3A_2] : memref<320000xf32, #tpu.memory_space<hbm>> -> memref<10000xf32, #tpu.memory_space<hbm>>
      %dma_wait3A_8 = tpu.memref_slice %arg9[%mul3A_2] : memref<320000xf32, #tpu.memory_space<hbm>> -> memref<10000xf32, #tpu.memory_space<hbm>>
      tpu.wait_dma2 semaphore(%run_scoped3A : memref<!tpu.dma_semaphore, #tpu.memory_space<semaphore_mem>>) src(%arg17 : memref<10000xf32, #tpu.memory_space<vmem>>) dst(%dma_wait3A_8 : memref<10000xf32, #tpu.memory_space<hbm>>)
      tpu.yield
    }) : () -> ()
    return
  }
}

#map = affine_map<(d0, d1) -> (0, 0, 0)>
#map1 = affine_map<(d0, d1) -> (0, 0)>
module attributes {stable_mosaic.version = 14 : i64} {
  func.func @_scatter_body(%arg0: i32, %arg1: i32, %arg2: memref<32x125x80xi32, #tpu.memory_space<hbm>>, %arg3: memref<320000x128xf32, #tpu.memory_space<hbm>>, %arg4: memref<640x128xf32, #tpu.memory_space<hbm>>, %arg5: memref<2x10240x128xf32, #tpu.memory_space<hbm>>, %arg6: memref<125x80xi32, #tpu.memory_space<vmem>>, %arg7: memref<2x80x128xf32, #tpu.memory_space<vmem>>, %arg8: memref<10240x128xf32, #tpu.memory_space<vmem_shared>>, %arg9: memref<2x!tpu.dma_semaphore, #tpu.memory_space<semaphore_mem>>) attributes {dimension_semantics = [#tpu.dimension_semantics<core_parallel>, #tpu.dimension_semantics<subcore_parallel>], iteration_bounds = array<i64: 2, 16>, scalar_prefetch = 0 : i64, scratch_operands = 4 : i64, tpu.core_type = #tpu.core_type<sc_vector_subcore>, window_params = [{transform_indices = #map}, {transform_indices = #map1}, {transform_indices = #map1}, {transform_indices = #map}]} {
    %mul3A = arith.constant 2 : i32
    %mul3A_0 = arith.muli %arg1, %mul3A : i32
    %add3A = arith.addi %mul3A_0, %arg0 : i32
    %mul3A_1 = arith.constant 10000 : i32
    %mul3A_2 = arith.muli %add3A, %mul3A_1 : i32
    %mul3A_3 = arith.constant 640 : i32
    %mul3A_4 = arith.muli %arg1, %mul3A_3 : i32
    "tpu.region"() ({
      %run_scoped3A_49 = tpu.sem_alloc : memref<!tpu.dma_semaphore, #tpu.memory_space<semaphore_mem>>
      %dma_start3A_50 = arith.constant 0 : i32
      %dma_start3A_51 = tpu.memref_slice %arg8[%mul3A_4, %dma_start3A_50] : memref<10240x128xf32, #tpu.memory_space<vmem_shared>> -> memref<640x128xf32, #tpu.memory_space<vmem_shared>>
      tpu.enqueue_dma source(%arg4 : memref<640x128xf32, #tpu.memory_space<hbm>>) target(%dma_start3A_51 : memref<640x128xf32, #tpu.memory_space<vmem_shared>>) target_semaphore(%run_scoped3A_49 : memref<!tpu.dma_semaphore, #tpu.memory_space<semaphore_mem>>)
      %dma_wait3A_52 = arith.constant 0 : i32
      %dma_wait3A_53 = tpu.memref_slice %arg8[%mul3A_4, %dma_wait3A_52] : memref<10240x128xf32, #tpu.memory_space<vmem_shared>> -> memref<640x128xf32, #tpu.memory_space<vmem_shared>>
      tpu.wait_dma2 semaphore(%run_scoped3A_49 : memref<!tpu.dma_semaphore, #tpu.memory_space<semaphore_mem>>) src(%arg4 : memref<640x128xf32, #tpu.memory_space<hbm>>) dst(%dma_wait3A_53 : memref<640x128xf32, #tpu.memory_space<vmem_shared>>)
      tpu.yield
    }) : () -> ()
    "tpu.region"() ({
      %run_scoped3A_49 = tpu.sem_alloc : memref<!tpu.dma_semaphore, #tpu.memory_space<semaphore_mem>>
      %dma_start3A_50 = arith.constant 0 : i32
      %dma_start3A_51 = arith.constant 0 : i32
      %dma_start3A_52 = tpu.memref_slice %arg2[%add3A, %dma_start3A_50, %dma_start3A_51] : memref<32x125x80xi32, #tpu.memory_space<hbm>> -> memref<1x125x80xi32, #tpu.memory_space<hbm>>
      %dma_start3A_53 = tpu.memref_squeeze %dma_start3A_52 : memref<1x125x80xi32, #tpu.memory_space<hbm>> -> memref<125x80xi32, #tpu.memory_space<hbm>>
      %dma_start3A_54 = arith.constant 0 : i32
      %dma_start3A_55 = arith.constant 0 : i32
      %dma_start3A_56 = tpu.memref_slice %arg2[%add3A, %dma_start3A_54, %dma_start3A_55] : memref<32x125x80xi32, #tpu.memory_space<hbm>> -> memref<1x125x80xi32, #tpu.memory_space<hbm>>
      %dma_start3A_57 = tpu.memref_squeeze %dma_start3A_56 : memref<1x125x80xi32, #tpu.memory_space<hbm>> -> memref<125x80xi32, #tpu.memory_space<hbm>>
      tpu.enqueue_dma source(%dma_start3A_57 : memref<125x80xi32, #tpu.memory_space<hbm>>) target(%arg6 : memref<125x80xi32, #tpu.memory_space<vmem>>) target_semaphore(%run_scoped3A_49 : memref<!tpu.dma_semaphore, #tpu.memory_space<semaphore_mem>>)
      %dma_wait3A_58 = arith.constant 0 : i32
      %dma_wait3A_59 = arith.constant 0 : i32
      %dma_wait3A_60 = tpu.memref_slice %arg2[%add3A, %dma_wait3A_58, %dma_wait3A_59] : memref<32x125x80xi32, #tpu.memory_space<hbm>> -> memref<1x125x80xi32, #tpu.memory_space<hbm>>
      %dma_wait3A_61 = tpu.memref_squeeze %dma_wait3A_60 : memref<1x125x80xi32, #tpu.memory_space<hbm>> -> memref<125x80xi32, #tpu.memory_space<hbm>>
      %dma_wait3A_62 = arith.constant 0 : i32
      %dma_wait3A_63 = arith.constant 0 : i32
      %dma_wait3A_64 = tpu.memref_slice %arg2[%add3A, %dma_wait3A_62, %dma_wait3A_63] : memref<32x125x80xi32, #tpu.memory_space<hbm>> -> memref<1x125x80xi32, #tpu.memory_space<hbm>>
      %dma_wait3A_65 = tpu.memref_squeeze %dma_wait3A_64 : memref<1x125x80xi32, #tpu.memory_space<hbm>> -> memref<125x80xi32, #tpu.memory_space<hbm>>
      tpu.wait_dma2 semaphore(%run_scoped3A_49 : memref<!tpu.dma_semaphore, #tpu.memory_space<semaphore_mem>>) src(%dma_wait3A_65 : memref<125x80xi32, #tpu.memory_space<hbm>>) dst(%arg6 : memref<125x80xi32, #tpu.memory_space<vmem>>)
      tpu.yield
    }) : () -> ()
    %barrier3A = arith.constant 0 : index
    tpu.barrier barrier_id(%barrier3A)
    %add3A_5 = arith.constant 0 : i32
    %add3A_6 = arith.addi %mul3A_2, %add3A_5 : i32
    %dma_start3A = arith.constant 0 : i32
    %dma_start3A_7 = arith.constant 0 : i32
    %dma_start3A_8 = arith.constant 0 : i32
    %dma_start3A_9 = arith.constant 0 : i32
    %dma_start3A_10 = tpu.memref_slice %arg7[%dma_start3A, %dma_start3A_8, %dma_start3A_9] : memref<2x80x128xf32, #tpu.memory_space<vmem>> -> memref<1x80x128xf32, #tpu.memory_space<vmem>>
    %dma_start3A_11 = tpu.memref_squeeze %dma_start3A_10 : memref<1x80x128xf32, #tpu.memory_space<vmem>> -> memref<80x128xf32, #tpu.memory_space<vmem>>
    %dma_start3A_12 = arith.constant 0 : i32
    %dma_start3A_13 = tpu.memref_slice %arg3[%add3A_6, %dma_start3A_12] : memref<320000x128xf32, #tpu.memory_space<hbm>> -> memref<80x128xf32, #tpu.memory_space<hbm>>
    %dma_start3A_14 = tpu.memref_slice %arg9[%dma_start3A_7] : memref<2x!tpu.dma_semaphore, #tpu.memory_space<semaphore_mem>> -> memref<1x!tpu.dma_semaphore, #tpu.memory_space<semaphore_mem>>
    %dma_start3A_15 = tpu.memref_squeeze %dma_start3A_14 : memref<1x!tpu.dma_semaphore, #tpu.memory_space<semaphore_mem>> -> memref<!tpu.dma_semaphore, #tpu.memory_space<semaphore_mem>>
    %dma_start3A_16 = arith.constant 0 : i32
    %dma_start3A_17 = arith.constant 0 : i32
    %dma_start3A_18 = tpu.memref_slice %arg7[%dma_start3A, %dma_start3A_16, %dma_start3A_17] : memref<2x80x128xf32, #tpu.memory_space<vmem>> -> memref<1x80x128xf32, #tpu.memory_space<vmem>>
    %dma_start3A_19 = tpu.memref_squeeze %dma_start3A_18 : memref<1x80x128xf32, #tpu.memory_space<vmem>> -> memref<80x128xf32, #tpu.memory_space<vmem>>
    %dma_start3A_20 = arith.constant 0 : i32
    %dma_start3A_21 = tpu.memref_slice %arg3[%add3A_6, %dma_start3A_20] : memref<320000x128xf32, #tpu.memory_space<hbm>> -> memref<80x128xf32, #tpu.memory_space<hbm>>
    tpu.enqueue_dma source(%dma_start3A_21 : memref<80x128xf32, #tpu.memory_space<hbm>>) target(%dma_start3A_19 : memref<80x128xf32, #tpu.memory_space<vmem>>) target_semaphore(%dma_start3A_15 : memref<!tpu.dma_semaphore, #tpu.memory_space<semaphore_mem>>)
    %scan3A = arith.constant 0 : i32
    %scan3A_22 = arith.constant 62 : i32
    %scan3A_23 = arith.addi %scan3A, %scan3A_22 : i32
    %scan3A_24 = arith.constant 1 : i32
    scf.for %scan3A_49 = %scan3A to %scan3A_23 step %scan3A_24  : i32 {
      %mul3A_50 = arith.constant 1 : i32
      %mul3A_51 = arith.muli %scan3A_49, %mul3A_50 : i32
      %add3A_52 = arith.constant 0 : i32
      %add3A_53 = arith.addi %add3A_52, %mul3A_51 : i32
      %mul3A_54 = arith.constant 2 : i32
      %mul3A_55 = arith.muli %mul3A_54, %add3A_53 : i32
      %add3A_56 = arith.constant 1 : i32
      %add3A_57 = arith.addi %mul3A_55, %add3A_56 : i32
      %mul3A_58 = arith.constant 80 : i32
      %mul3A_59 = arith.muli %add3A_57, %mul3A_58 : i32
      %add3A_60 = arith.addi %mul3A_2, %mul3A_59 : i32
      %dma_start3A_61 = arith.constant 1 : i32
      %dma_start3A_62 = arith.constant 1 : i32
      %dma_start3A_63 = arith.constant 0 : i32
      %dma_start3A_64 = arith.constant 0 : i32
      %dma_start3A_65 = tpu.memref_slice %arg7[%dma_start3A_61, %dma_start3A_63, %dma_start3A_64] : memref<2x80x128xf32, #tpu.memory_space<vmem>> -> memref<1x80x128xf32, #tpu.memory_space<vmem>>
      %dma_start3A_66 = tpu.memref_squeeze %dma_start3A_65 : memref<1x80x128xf32, #tpu.memory_space<vmem>> -> memref<80x128xf32, #tpu.memory_space<vmem>>
      %dma_start3A_67 = arith.constant 0 : i32
      %dma_start3A_68 = tpu.memref_slice %arg3[%add3A_60, %dma_start3A_67] : memref<320000x128xf32, #tpu.memory_space<hbm>> -> memref<80x128xf32, #tpu.memory_space<hbm>>
      %dma_start3A_69 = tpu.memref_slice %arg9[%dma_start3A_62] : memref<2x!tpu.dma_semaphore, #tpu.memory_space<semaphore_mem>> -> memref<1x!tpu.dma_semaphore, #tpu.memory_space<semaphore_mem>>
      %dma_start3A_70 = tpu.memref_squeeze %dma_start3A_69 : memref<1x!tpu.dma_semaphore, #tpu.memory_space<semaphore_mem>> -> memref<!tpu.dma_semaphore, #tpu.memory_space<semaphore_mem>>
      %dma_start3A_71 = arith.constant 0 : i32
      %dma_start3A_72 = arith.constant 0 : i32
      %dma_start3A_73 = tpu.memref_slice %arg7[%dma_start3A_61, %dma_start3A_71, %dma_start3A_72] : memref<2x80x128xf32, #tpu.memory_space<vmem>> -> memref<1x80x128xf32, #tpu.memory_space<vmem>>
      %dma_start3A_74 = tpu.memref_squeeze %dma_start3A_73 : memref<1x80x128xf32, #tpu.memory_space<vmem>> -> memref<80x128xf32, #tpu.memory_space<vmem>>
      %dma_start3A_75 = arith.constant 0 : i32
      %dma_start3A_76 = tpu.memref_slice %arg3[%add3A_60, %dma_start3A_75] : memref<320000x128xf32, #tpu.memory_space<hbm>> -> memref<80x128xf32, #tpu.memory_space<hbm>>
      tpu.enqueue_dma source(%dma_start3A_76 : memref<80x128xf32, #tpu.memory_space<hbm>>) target(%dma_start3A_74 : memref<80x128xf32, #tpu.memory_space<vmem>>) target_semaphore(%dma_start3A_70 : memref<!tpu.dma_semaphore, #tpu.memory_space<semaphore_mem>>)
      %mul3A_77 = arith.constant 80 : i32
      %mul3A_78 = arith.muli %mul3A_55, %mul3A_77 : i32
      %add3A_79 = arith.addi %mul3A_2, %mul3A_78 : i32
      %dma_wait3A_80 = arith.constant 0 : i32
      %dma_wait3A_81 = arith.constant 0 : i32
      %dma_wait3A_82 = arith.constant 0 : i32
      %dma_wait3A_83 = arith.constant 0 : i32
      %dma_wait3A_84 = tpu.memref_slice %arg7[%dma_wait3A_80, %dma_wait3A_82, %dma_wait3A_83] : memref<2x80x128xf32, #tpu.memory_space<vmem>> -> memref<1x80x128xf32, #tpu.memory_space<vmem>>
      %dma_wait3A_85 = tpu.memref_squeeze %dma_wait3A_84 : memref<1x80x128xf32, #tpu.memory_space<vmem>> -> memref<80x128xf32, #tpu.memory_space<vmem>>
      %dma_wait3A_86 = arith.constant 0 : i32
      %dma_wait3A_87 = tpu.memref_slice %arg3[%add3A_79, %dma_wait3A_86] : memref<320000x128xf32, #tpu.memory_space<hbm>> -> memref<80x128xf32, #tpu.memory_space<hbm>>
      %dma_wait3A_88 = tpu.memref_slice %arg9[%dma_wait3A_81] : memref<2x!tpu.dma_semaphore, #tpu.memory_space<semaphore_mem>> -> memref<1x!tpu.dma_semaphore, #tpu.memory_space<semaphore_mem>>
      %dma_wait3A_89 = tpu.memref_squeeze %dma_wait3A_88 : memref<1x!tpu.dma_semaphore, #tpu.memory_space<semaphore_mem>> -> memref<!tpu.dma_semaphore, #tpu.memory_space<semaphore_mem>>
      %dma_wait3A_90 = arith.constant 0 : i32
      %dma_wait3A_91 = arith.constant 0 : i32
      %dma_wait3A_92 = tpu.memref_slice %arg7[%dma_wait3A_80, %dma_wait3A_90, %dma_wait3A_91] : memref<2x80x128xf32, #tpu.memory_space<vmem>> -> memref<1x80x128xf32, #tpu.memory_space<vmem>>
      %dma_wait3A_93 = tpu.memref_squeeze %dma_wait3A_92 : memref<1x80x128xf32, #tpu.memory_space<vmem>> -> memref<80x128xf32, #tpu.memory_space<vmem>>
      %dma_wait3A_94 = arith.constant 0 : i32
      %dma_wait3A_95 = tpu.memref_slice %arg3[%add3A_79, %dma_wait3A_94] : memref<320000x128xf32, #tpu.memory_space<hbm>> -> memref<80x128xf32, #tpu.memory_space<hbm>>
      tpu.wait_dma2 semaphore(%dma_wait3A_89 : memref<!tpu.dma_semaphore, #tpu.memory_space<semaphore_mem>>) src(%dma_wait3A_95 : memref<80x128xf32, #tpu.memory_space<hbm>>) dst(%dma_wait3A_93 : memref<80x128xf32, #tpu.memory_space<vmem>>)
      %run_scoped3A_96 = arith.constant 0 : i32
      "tpu.region"() ({
        %run_scoped3A_142 = tpu.sem_alloc : memref<!tpu.dma_semaphore, #tpu.memory_space<semaphore_mem>>
        %dma_start3A_143 = arith.constant 0 : i32
        %dma_start3A_144 = arith.constant 0 : i32
        %dma_start3A_145 = tpu.memref_slice %arg7[%run_scoped3A_96, %dma_start3A_143, %dma_start3A_144] : memref<2x80x128xf32, #tpu.memory_space<vmem>> -> memref<1x80x128xf32, #tpu.memory_space<vmem>>
        %dma_start3A_146 = tpu.memref_squeeze %dma_start3A_145 : memref<1x80x128xf32, #tpu.memory_space<vmem>> -> memref<80x128xf32, #tpu.memory_space<vmem>>
        %dma_start3A_147 = arith.constant 0 : i32
        %dma_start3A_148 = tpu.memref_slice %arg6[%mul3A_55, %dma_start3A_147] : memref<125x80xi32, #tpu.memory_space<vmem>> -> memref<1x80xi32, #tpu.memory_space<vmem>>
        %dma_start3A_149 = tpu.memref_squeeze %dma_start3A_148 : memref<1x80xi32, #tpu.memory_space<vmem>> -> memref<80xi32, #tpu.memory_space<vmem>>
        %dma_start3A_150 = arith.constant 0 : i32
        %dma_start3A_151 = arith.constant 0 : i32
        %dma_start3A_152 = tpu.memref_slice %arg8[%dma_start3A_150, %dma_start3A_151] : memref<10240x128xf32, #tpu.memory_space<vmem_shared>> -> memref<10240x128xf32, #tpu.memory_space<vmem_shared>>
        tpu.enqueue_indirect_dma source(%dma_start3A_146 : memref<80x128xf32, #tpu.memory_space<vmem>>) target(%dma_start3A_152 : memref<10240x128xf32, #tpu.memory_space<vmem_shared>>) offsets(%dma_start3A_149 : memref<80xi32, #tpu.memory_space<vmem>>) semaphore(%run_scoped3A_142 : memref<!tpu.dma_semaphore, #tpu.memory_space<semaphore_mem>>) {add = true}
        %dma_wait3A_153 = arith.constant 0 : i32
        %dma_wait3A_154 = arith.constant 0 : i32
        %dma_wait3A_155 = tpu.memref_slice %arg7[%run_scoped3A_96, %dma_wait3A_153, %dma_wait3A_154] : memref<2x80x128xf32, #tpu.memory_space<vmem>> -> memref<1x80x128xf32, #tpu.memory_space<vmem>>
        %dma_wait3A_156 = tpu.memref_squeeze %dma_wait3A_155 : memref<1x80x128xf32, #tpu.memory_space<vmem>> -> memref<80x128xf32, #tpu.memory_space<vmem>>
        %dma_wait3A_157 = arith.constant 0 : i32
        %dma_wait3A_158 = tpu.memref_slice %arg6[%mul3A_55, %dma_wait3A_157] : memref<125x80xi32, #tpu.memory_space<vmem>> -> memref<1x80xi32, #tpu.memory_space<vmem>>
        %dma_wait3A_159 = tpu.memref_squeeze %dma_wait3A_158 : memref<1x80xi32, #tpu.memory_space<vmem>> -> memref<80xi32, #tpu.memory_space<vmem>>
        %dma_wait3A_160 = arith.constant 0 : i32
        %dma_wait3A_161 = arith.constant 0 : i32
        %dma_wait3A_162 = tpu.memref_slice %arg8[%dma_wait3A_160, %dma_wait3A_161] : memref<10240x128xf32, #tpu.memory_space<vmem_shared>> -> memref<10240x128xf32, #tpu.memory_space<vmem_shared>>
        tpu.wait_indirect_dma semaphore(%run_scoped3A_142 : memref<!tpu.dma_semaphore, #tpu.memory_space<semaphore_mem>>) src(%dma_wait3A_156 : memref<80x128xf32, #tpu.memory_space<vmem>>) dst(%dma_wait3A_162 : memref<10240x128xf32, #tpu.memory_space<vmem_shared>>)
        tpu.yield
      }) : () -> ()
      %add3A_97 = arith.constant 2 : i32
      %add3A_98 = arith.addi %mul3A_55, %add3A_97 : i32
      %mul3A_99 = arith.constant 80 : i32
      %mul3A_100 = arith.muli %add3A_98, %mul3A_99 : i32
      %add3A_101 = arith.addi %mul3A_2, %mul3A_100 : i32
      %dma_start3A_102 = arith.constant 0 : i32
      %dma_start3A_103 = arith.constant 0 : i32
      %dma_start3A_104 = arith.constant 0 : i32
      %dma_start3A_105 = arith.constant 0 : i32
      %dma_start3A_106 = tpu.memref_slice %arg7[%dma_start3A_102, %dma_start3A_104, %dma_start3A_105] : memref<2x80x128xf32, #tpu.memory_space<vmem>> -> memref<1x80x128xf32, #tpu.memory_space<vmem>>
      %dma_start3A_107 = tpu.memref_squeeze %dma_start3A_106 : memref<1x80x128xf32, #tpu.memory_space<vmem>> -> memref<80x128xf32, #tpu.memory_space<vmem>>
      %dma_start3A_108 = arith.constant 0 : i32
      %dma_start3A_109 = tpu.memref_slice %arg3[%add3A_101, %dma_start3A_108] : memref<320000x128xf32, #tpu.memory_space<hbm>> -> memref<80x128xf32, #tpu.memory_space<hbm>>
      %dma_start3A_110 = tpu.memref_slice %arg9[%dma_start3A_103] : memref<2x!tpu.dma_semaphore, #tpu.memory_space<semaphore_mem>> -> memref<1x!tpu.dma_semaphore, #tpu.memory_space<semaphore_mem>>
      %dma_start3A_111 = tpu.memref_squeeze %dma_start3A_110 : memref<1x!tpu.dma_semaphore, #tpu.memory_space<semaphore_mem>> -> memref<!tpu.dma_semaphore, #tpu.memory_space<semaphore_mem>>
      %dma_start3A_112 = arith.constant 0 : i32
      %dma_start3A_113 = arith.constant 0 : i32
      %dma_start3A_114 = tpu.memref_slice %arg7[%dma_start3A_102, %dma_start3A_112, %dma_start3A_113] : memref<2x80x128xf32, #tpu.memory_space<vmem>> -> memref<1x80x128xf32, #tpu.memory_space<vmem>>
      %dma_start3A_115 = tpu.memref_squeeze %dma_start3A_114 : memref<1x80x128xf32, #tpu.memory_space<vmem>> -> memref<80x128xf32, #tpu.memory_space<vmem>>
      %dma_start3A_116 = arith.constant 0 : i32
      %dma_start3A_117 = tpu.memref_slice %arg3[%add3A_101, %dma_start3A_116] : memref<320000x128xf32, #tpu.memory_space<hbm>> -> memref<80x128xf32, #tpu.memory_space<hbm>>
      tpu.enqueue_dma source(%dma_start3A_117 : memref<80x128xf32, #tpu.memory_space<hbm>>) target(%dma_start3A_115 : memref<80x128xf32, #tpu.memory_space<vmem>>) target_semaphore(%dma_start3A_111 : memref<!tpu.dma_semaphore, #tpu.memory_space<semaphore_mem>>)
      %add3A_118 = arith.constant 1 : i32
      %add3A_119 = arith.addi %mul3A_55, %add3A_118 : i32
      %mul3A_120 = arith.constant 80 : i32
      %mul3A_121 = arith.muli %add3A_119, %mul3A_120 : i32
      %add3A_122 = arith.addi %mul3A_2, %mul3A_121 : i32
      %dma_wait3A_123 = arith.constant 1 : i32
      %dma_wait3A_124 = arith.constant 1 : i32
      %dma_wait3A_125 = arith.constant 0 : i32
      %dma_wait3A_126 = arith.constant 0 : i32
      %dma_wait3A_127 = tpu.memref_slice %arg7[%dma_wait3A_123, %dma_wait3A_125, %dma_wait3A_126] : memref<2x80x128xf32, #tpu.memory_space<vmem>> -> memref<1x80x128xf32, #tpu.memory_space<vmem>>
      %dma_wait3A_128 = tpu.memref_squeeze %dma_wait3A_127 : memref<1x80x128xf32, #tpu.memory_space<vmem>> -> memref<80x128xf32, #tpu.memory_space<vmem>>
      %dma_wait3A_129 = arith.constant 0 : i32
      %dma_wait3A_130 = tpu.memref_slice %arg3[%add3A_122, %dma_wait3A_129] : memref<320000x128xf32, #tpu.memory_space<hbm>> -> memref<80x128xf32, #tpu.memory_space<hbm>>
      %dma_wait3A_131 = tpu.memref_slice %arg9[%dma_wait3A_124] : memref<2x!tpu.dma_semaphore, #tpu.memory_space<semaphore_mem>> -> memref<1x!tpu.dma_semaphore, #tpu.memory_space<semaphore_mem>>
      %dma_wait3A_132 = tpu.memref_squeeze %dma_wait3A_131 : memref<1x!tpu.dma_semaphore, #tpu.memory_space<semaphore_mem>> -> memref<!tpu.dma_semaphore, #tpu.memory_space<semaphore_mem>>
      %dma_wait3A_133 = arith.constant 0 : i32
      %dma_wait3A_134 = arith.constant 0 : i32
      %dma_wait3A_135 = tpu.memref_slice %arg7[%dma_wait3A_123, %dma_wait3A_133, %dma_wait3A_134] : memref<2x80x128xf32, #tpu.memory_space<vmem>> -> memref<1x80x128xf32, #tpu.memory_space<vmem>>
      %dma_wait3A_136 = tpu.memref_squeeze %dma_wait3A_135 : memref<1x80x128xf32, #tpu.memory_space<vmem>> -> memref<80x128xf32, #tpu.memory_space<vmem>>
      %dma_wait3A_137 = arith.constant 0 : i32
      %dma_wait3A_138 = tpu.memref_slice %arg3[%add3A_122, %dma_wait3A_137] : memref<320000x128xf32, #tpu.memory_space<hbm>> -> memref<80x128xf32, #tpu.memory_space<hbm>>
      tpu.wait_dma2 semaphore(%dma_wait3A_132 : memref<!tpu.dma_semaphore, #tpu.memory_space<semaphore_mem>>) src(%dma_wait3A_138 : memref<80x128xf32, #tpu.memory_space<hbm>>) dst(%dma_wait3A_136 : memref<80x128xf32, #tpu.memory_space<vmem>>)
      %add3A_139 = arith.constant 1 : i32
      %add3A_140 = arith.addi %mul3A_55, %add3A_139 : i32
      %run_scoped3A_141 = arith.constant 1 : i32
      "tpu.region"() ({
        %run_scoped3A_142 = tpu.sem_alloc : memref<!tpu.dma_semaphore, #tpu.memory_space<semaphore_mem>>
        %dma_start3A_143 = arith.constant 0 : i32
        %dma_start3A_144 = arith.constant 0 : i32
        %dma_start3A_145 = tpu.memref_slice %arg7[%run_scoped3A_141, %dma_start3A_143, %dma_start3A_144] : memref<2x80x128xf32, #tpu.memory_space<vmem>> -> memref<1x80x128xf32, #tpu.memory_space<vmem>>
        %dma_start3A_146 = tpu.memref_squeeze %dma_start3A_145 : memref<1x80x128xf32, #tpu.memory_space<vmem>> -> memref<80x128xf32, #tpu.memory_space<vmem>>
        %dma_start3A_147 = arith.constant 0 : i32
        %dma_start3A_148 = tpu.memref_slice %arg6[%add3A_140, %dma_start3A_147] : memref<125x80xi32, #tpu.memory_space<vmem>> -> memref<1x80xi32, #tpu.memory_space<vmem>>
        %dma_start3A_149 = tpu.memref_squeeze %dma_start3A_148 : memref<1x80xi32, #tpu.memory_space<vmem>> -> memref<80xi32, #tpu.memory_space<vmem>>
        %dma_start3A_150 = arith.constant 0 : i32
        %dma_start3A_151 = arith.constant 0 : i32
        %dma_start3A_152 = tpu.memref_slice %arg8[%dma_start3A_150, %dma_start3A_151] : memref<10240x128xf32, #tpu.memory_space<vmem_shared>> -> memref<10240x128xf32, #tpu.memory_space<vmem_shared>>
        tpu.enqueue_indirect_dma source(%dma_start3A_146 : memref<80x128xf32, #tpu.memory_space<vmem>>) target(%dma_start3A_152 : memref<10240x128xf32, #tpu.memory_space<vmem_shared>>) offsets(%dma_start3A_149 : memref<80xi32, #tpu.memory_space<vmem>>) semaphore(%run_scoped3A_142 : memref<!tpu.dma_semaphore, #tpu.memory_space<semaphore_mem>>) {add = true}
        %dma_wait3A_153 = arith.constant 0 : i32
        %dma_wait3A_154 = arith.constant 0 : i32
        %dma_wait3A_155 = tpu.memref_slice %arg7[%run_scoped3A_141, %dma_wait3A_153, %dma_wait3A_154] : memref<2x80x128xf32, #tpu.memory_space<vmem>> -> memref<1x80x128xf32, #tpu.memory_space<vmem>>
        %dma_wait3A_156 = tpu.memref_squeeze %dma_wait3A_155 : memref<1x80x128xf32, #tpu.memory_space<vmem>> -> memref<80x128xf32, #tpu.memory_space<vmem>>
        %dma_wait3A_157 = arith.constant 0 : i32
        %dma_wait3A_158 = tpu.memref_slice %arg6[%add3A_140, %dma_wait3A_157] : memref<125x80xi32, #tpu.memory_space<vmem>> -> memref<1x80xi32, #tpu.memory_space<vmem>>
        %dma_wait3A_159 = tpu.memref_squeeze %dma_wait3A_158 : memref<1x80xi32, #tpu.memory_space<vmem>> -> memref<80xi32, #tpu.memory_space<vmem>>
        %dma_wait3A_160 = arith.constant 0 : i32
        %dma_wait3A_161 = arith.constant 0 : i32
        %dma_wait3A_162 = tpu.memref_slice %arg8[%dma_wait3A_160, %dma_wait3A_161] : memref<10240x128xf32, #tpu.memory_space<vmem_shared>> -> memref<10240x128xf32, #tpu.memory_space<vmem_shared>>
        tpu.wait_indirect_dma semaphore(%run_scoped3A_142 : memref<!tpu.dma_semaphore, #tpu.memory_space<semaphore_mem>>) src(%dma_wait3A_156 : memref<80x128xf32, #tpu.memory_space<vmem>>) dst(%dma_wait3A_162 : memref<10240x128xf32, #tpu.memory_space<vmem_shared>>)
        tpu.yield
      }) : () -> ()
    }
    %scan3A_25 = arith.constant 62 : i32
    %add3A_26 = arith.constant 9920 : i32
    %add3A_27 = arith.addi %mul3A_2, %add3A_26 : i32
    %dma_wait3A = arith.constant 0 : i32
    %dma_wait3A_28 = arith.constant 0 : i32
    %dma_wait3A_29 = arith.constant 0 : i32
    %dma_wait3A_30 = arith.constant 0 : i32
    %dma_wait3A_31 = tpu.memref_slice %arg7[%dma_wait3A, %dma_wait3A_29, %dma_wait3A_30] : memref<2x80x128xf32, #tpu.memory_space<vmem>> -> memref<1x80x128xf32, #tpu.memory_space<vmem>>
    %dma_wait3A_32 = tpu.memref_squeeze %dma_wait3A_31 : memref<1x80x128xf32, #tpu.memory_space<vmem>> -> memref<80x128xf32, #tpu.memory_space<vmem>>
    %dma_wait3A_33 = arith.constant 0 : i32
    %dma_wait3A_34 = tpu.memref_slice %arg3[%add3A_27, %dma_wait3A_33] : memref<320000x128xf32, #tpu.memory_space<hbm>> -> memref<80x128xf32, #tpu.memory_space<hbm>>
    %dma_wait3A_35 = tpu.memref_slice %arg9[%dma_wait3A_28] : memref<2x!tpu.dma_semaphore, #tpu.memory_space<semaphore_mem>> -> memref<1x!tpu.dma_semaphore, #tpu.memory_space<semaphore_mem>>
    %dma_wait3A_36 = tpu.memref_squeeze %dma_wait3A_35 : memref<1x!tpu.dma_semaphore, #tpu.memory_space<semaphore_mem>> -> memref<!tpu.dma_semaphore, #tpu.memory_space<semaphore_mem>>
    %dma_wait3A_37 = arith.constant 0 : i32
    %dma_wait3A_38 = arith.constant 0 : i32
    %dma_wait3A_39 = tpu.memref_slice %arg7[%dma_wait3A, %dma_wait3A_37, %dma_wait3A_38] : memref<2x80x128xf32, #tpu.memory_space<vmem>> -> memref<1x80x128xf32, #tpu.memory_space<vmem>>
    %dma_wait3A_40 = tpu.memref_squeeze %dma_wait3A_39 : memref<1x80x128xf32, #tpu.memory_space<vmem>> -> memref<80x128xf32, #tpu.memory_space<vmem>>
    %dma_wait3A_41 = arith.constant 0 : i32
    %dma_wait3A_42 = tpu.memref_slice %arg3[%add3A_27, %dma_wait3A_41] : memref<320000x128xf32, #tpu.memory_space<hbm>> -> memref<80x128xf32, #tpu.memory_space<hbm>>
    tpu.wait_dma2 semaphore(%dma_wait3A_36 : memref<!tpu.dma_semaphore, #tpu.memory_space<semaphore_mem>>) src(%dma_wait3A_42 : memref<80x128xf32, #tpu.memory_space<hbm>>) dst(%dma_wait3A_40 : memref<80x128xf32, #tpu.memory_space<vmem>>)
    %run_scoped3A = arith.constant 0 : i32
    %run_scoped3A_43 = arith.constant 124 : i32
    "tpu.region"() ({
      %run_scoped3A_49 = tpu.sem_alloc : memref<!tpu.dma_semaphore, #tpu.memory_space<semaphore_mem>>
      %dma_start3A_50 = arith.constant 0 : i32
      %dma_start3A_51 = arith.constant 0 : i32
      %dma_start3A_52 = tpu.memref_slice %arg7[%run_scoped3A, %dma_start3A_50, %dma_start3A_51] : memref<2x80x128xf32, #tpu.memory_space<vmem>> -> memref<1x80x128xf32, #tpu.memory_space<vmem>>
      %dma_start3A_53 = tpu.memref_squeeze %dma_start3A_52 : memref<1x80x128xf32, #tpu.memory_space<vmem>> -> memref<80x128xf32, #tpu.memory_space<vmem>>
      %dma_start3A_54 = arith.constant 0 : i32
      %dma_start3A_55 = tpu.memref_slice %arg6[%run_scoped3A_43, %dma_start3A_54] : memref<125x80xi32, #tpu.memory_space<vmem>> -> memref<1x80xi32, #tpu.memory_space<vmem>>
      %dma_start3A_56 = tpu.memref_squeeze %dma_start3A_55 : memref<1x80xi32, #tpu.memory_space<vmem>> -> memref<80xi32, #tpu.memory_space<vmem>>
      %dma_start3A_57 = arith.constant 0 : i32
      %dma_start3A_58 = arith.constant 0 : i32
      %dma_start3A_59 = tpu.memref_slice %arg8[%dma_start3A_57, %dma_start3A_58] : memref<10240x128xf32, #tpu.memory_space<vmem_shared>> -> memref<10240x128xf32, #tpu.memory_space<vmem_shared>>
      tpu.enqueue_indirect_dma source(%dma_start3A_53 : memref<80x128xf32, #tpu.memory_space<vmem>>) target(%dma_start3A_59 : memref<10240x128xf32, #tpu.memory_space<vmem_shared>>) offsets(%dma_start3A_56 : memref<80xi32, #tpu.memory_space<vmem>>) semaphore(%run_scoped3A_49 : memref<!tpu.dma_semaphore, #tpu.memory_space<semaphore_mem>>) {add = true}
      %dma_wait3A_60 = arith.constant 0 : i32
      %dma_wait3A_61 = arith.constant 0 : i32
      %dma_wait3A_62 = tpu.memref_slice %arg7[%run_scoped3A, %dma_wait3A_60, %dma_wait3A_61] : memref<2x80x128xf32, #tpu.memory_space<vmem>> -> memref<1x80x128xf32, #tpu.memory_space<vmem>>
      %dma_wait3A_63 = tpu.memref_squeeze %dma_wait3A_62 : memref<1x80x128xf32, #tpu.memory_space<vmem>> -> memref<80x128xf32, #tpu.memory_space<vmem>>
      %dma_wait3A_64 = arith.constant 0 : i32
      %dma_wait3A_65 = tpu.memref_slice %arg6[%run_scoped3A_43, %dma_wait3A_64] : memref<125x80xi32, #tpu.memory_space<vmem>> -> memref<1x80xi32, #tpu.memory_space<vmem>>
      %dma_wait3A_66 = tpu.memref_squeeze %dma_wait3A_65 : memref<1x80xi32, #tpu.memory_space<vmem>> -> memref<80xi32, #tpu.memory_space<vmem>>
      %dma_wait3A_67 = arith.constant 0 : i32
      %dma_wait3A_68 = arith.constant 0 : i32
      %dma_wait3A_69 = tpu.memref_slice %arg8[%dma_wait3A_67, %dma_wait3A_68] : memref<10240x128xf32, #tpu.memory_space<vmem_shared>> -> memref<10240x128xf32, #tpu.memory_space<vmem_shared>>
      tpu.wait_indirect_dma semaphore(%run_scoped3A_49 : memref<!tpu.dma_semaphore, #tpu.memory_space<semaphore_mem>>) src(%dma_wait3A_63 : memref<80x128xf32, #tpu.memory_space<vmem>>) dst(%dma_wait3A_69 : memref<10240x128xf32, #tpu.memory_space<vmem_shared>>)
      tpu.yield
    }) : () -> ()
    %barrier3A_44 = arith.constant 0 : index
    tpu.barrier barrier_id(%barrier3A_44)
    %mul3A_45 = arith.constant 640 : i32
    %mul3A_46 = arith.muli %arg1, %mul3A_45 : i32
    %mul3A_47 = arith.constant 640 : i32
    %mul3A_48 = arith.muli %arg1, %mul3A_47 : i32
    "tpu.region"() ({
      %run_scoped3A_49 = tpu.sem_alloc : memref<!tpu.dma_semaphore, #tpu.memory_space<semaphore_mem>>
      %dma_start3A_50 = arith.constant 0 : i32
      %dma_start3A_51 = arith.constant 0 : i32
      %dma_start3A_52 = tpu.memref_slice %arg5[%arg0, %dma_start3A_50, %dma_start3A_51] : memref<2x10240x128xf32, #tpu.memory_space<hbm>> -> memref<1x10240x128xf32, #tpu.memory_space<hbm>>
      %dma_start3A_53 = tpu.memref_squeeze %dma_start3A_52 : memref<1x10240x128xf32, #tpu.memory_space<hbm>> -> memref<10240x128xf32, #tpu.memory_space<hbm>>
      %dma_start3A_54 = arith.constant 0 : i32
      %dma_start3A_55 = tpu.memref_slice %dma_start3A_53[%mul3A_48, %dma_start3A_54] : memref<10240x128xf32, #tpu.memory_space<hbm>> -> memref<640x128xf32, #tpu.memory_space<hbm>>
      %dma_start3A_56 = arith.constant 0 : i32
      %dma_start3A_57 = tpu.memref_slice %arg8[%mul3A_46, %dma_start3A_56] : memref<10240x128xf32, #tpu.memory_space<vmem_shared>> -> memref<640x128xf32, #tpu.memory_space<vmem_shared>>
      tpu.enqueue_dma source(%dma_start3A_57 : memref<640x128xf32, #tpu.memory_space<vmem_shared>>) target(%dma_start3A_55 : memref<640x128xf32, #tpu.memory_space<hbm>>) target_semaphore(%run_scoped3A_49 : memref<!tpu.dma_semaphore, #tpu.memory_space<semaphore_mem>>)
      %dma_wait3A_58 = arith.constant 0 : i32
      %dma_wait3A_59 = arith.constant 0 : i32
      %dma_wait3A_60 = tpu.memref_slice %arg5[%arg0, %dma_wait3A_58, %dma_wait3A_59] : memref<2x10240x128xf32, #tpu.memory_space<hbm>> -> memref<1x10240x128xf32, #tpu.memory_space<hbm>>
      %dma_wait3A_61 = tpu.memref_squeeze %dma_wait3A_60 : memref<1x10240x128xf32, #tpu.memory_space<hbm>> -> memref<10240x128xf32, #tpu.memory_space<hbm>>
      %dma_wait3A_62 = arith.constant 0 : i32
      %dma_wait3A_63 = tpu.memref_slice %dma_wait3A_61[%mul3A_48, %dma_wait3A_62] : memref<10240x128xf32, #tpu.memory_space<hbm>> -> memref<640x128xf32, #tpu.memory_space<hbm>>
      %dma_wait3A_64 = arith.constant 0 : i32
      %dma_wait3A_65 = tpu.memref_slice %arg8[%mul3A_46, %dma_wait3A_64] : memref<10240x128xf32, #tpu.memory_space<vmem_shared>> -> memref<640x128xf32, #tpu.memory_space<vmem_shared>>
      tpu.wait_dma2 semaphore(%run_scoped3A_49 : memref<!tpu.dma_semaphore, #tpu.memory_space<semaphore_mem>>) src(%dma_wait3A_65 : memref<640x128xf32, #tpu.memory_space<vmem_shared>>) dst(%dma_wait3A_63 : memref<640x128xf32, #tpu.memory_space<hbm>>)
      tpu.yield
    }) : () -> ()
    return
  }
}

module attributes {stable_mosaic.version = 14 : i64} {
  func.func @_scalar_prep_body(%arg0: memref<1000x320xf32, #tpu.memory_space<vmem>>, %arg1: memref<1000x320xf32, #tpu.memory_space<vmem>>, %arg2: memref<1000x320xf32, #tpu.memory_space<vmem>>) attributes {dimension_semantics = [], scalar_prefetch = 0 : i64, scratch_operands = 0 : i64, tpu.core_type = #tpu.core_type<tc>} {
    %get3A = arith.constant 0 : index
    %get3A_0 = arith.constant 0 : index
    %get3A_1 = vector.load %arg0[%get3A, %get3A_0] : memref<1000x320xf32, #tpu.memory_space<vmem>>, vector<1000x320xf32>
    %sqrt3A = math.sqrt %get3A_1 : vector<1000x320xf32>
    %mul3A = arith.constant 0.314159274 : f32
    %mul3A_2 = vector.broadcast %mul3A : f32 to vector<1000x320xf32>
    %mul3A_3 = arith.mulf %sqrt3A, %mul3A_2 : vector<1000x320xf32>
    %cos3A = math.cos %mul3A_3 : vector<1000x320xf32>
    %add3A = arith.constant 1.000000e+00 : f32
    %add3A_4 = vector.broadcast %add3A : f32 to vector<1000x320xf32>
    %add3A_5 = arith.addf %cos3A, %add3A_4 : vector<1000x320xf32>
    %mul3A_6 = arith.constant 5.000000e-01 : f32
    %mul3A_7 = vector.broadcast %mul3A_6 : f32 to vector<1000x320xf32>
    %mul3A_8 = arith.mulf %mul3A_7, %add3A_5 : vector<1000x320xf32>
    %lt3A = arith.constant 1.000000e+01 : f32
    %lt3A_9 = vector.broadcast %lt3A : f32 to vector<1000x320xf32>
    %lt3A_10 = arith.cmpf olt, %sqrt3A, %lt3A_9 : vector<1000x320xf32>
    %convert_element_type3A = arith.extui %lt3A_10 : vector<1000x320xi1> to vector<1000x320xi32>
    %convert_element_type3A_11 = arith.sitofp %convert_element_type3A : vector<1000x320xi32> to vector<1000x320xf32>
    %mul3A_12 = arith.mulf %mul3A_8, %convert_element_type3A_11 : vector<1000x320xf32>
    %swap3A = arith.constant 0 : index
    %swap3A_13 = arith.constant 0 : index
    %swap3A_14 = vector.load %arg2[%swap3A, %swap3A_13] : memref<1000x320xf32, #tpu.memory_space<vmem>>, vector<1000x320xf32>
    tpu.vector_store %arg2[%swap3A, %swap3A_13], %mul3A_12 {strides = array<i32>} : memref<1000x320xf32, #tpu.memory_space<vmem>>, vector<1000x320xf32>,
    %swap3A_15 = arith.constant 0 : index
    %swap3A_16 = arith.constant 0 : index
    %swap3A_17 = vector.load %arg1[%swap3A_15, %swap3A_16] : memref<1000x320xf32, #tpu.memory_space<vmem>>, vector<1000x320xf32>
    tpu.vector_store %arg1[%swap3A_15, %swap3A_16], %sqrt3A {strides = array<i32>} : memref<1000x320xf32, #tpu.memory_space<vmem>>, vector<1000x320xf32>,
    return
  }
}

module attributes {stable_mosaic.version = 14 : i64} {
  func.func @_edge_mlp_body(%arg0: i32, %arg1: memref<2560x1xi32, #tpu.memory_space<vmem>>, %arg2: memref<2560x1xf32, #tpu.memory_space<vmem>>, %arg3: memref<2560x1xf32, #tpu.memory_space<vmem>>, %arg4: memref<100x128xf32, #tpu.memory_space<vmem>>, %arg5: memref<128x128xf32, #tpu.memory_space<vmem>>, %arg6: memref<50x128xf32, #tpu.memory_space<vmem>>, %arg7: memref<128xf32, #tpu.memory_space<vmem>>, %arg8: memref<128x128xf32, #tpu.memory_space<vmem>>, %arg9: memref<128xf32, #tpu.memory_space<vmem>>, %arg10: memref<2560x128xf32, #tpu.memory_space<vmem>>, %arg11: memref<100x128xf32, #tpu.memory_space<vmem>>) attributes {dimension_semantics = [#tpu.dimension_semantics<arbitrary>], iteration_bounds = array<i64: 125>, scalar_prefetch = 0 : i64, scratch_operands = 1 : i64, tpu.core_type = #tpu.core_type<tc>, window_params = [{transform_indices = @transform_0, window_bounds = array<i64: 2560, 1>}, {transform_indices = @transform_1, window_bounds = array<i64: 2560, 1>}, {transform_indices = @transform_2, window_bounds = array<i64: 2560, 1>}, {pipeline_mode = #tpu.pipeline_mode<synchronous>, transform_indices = @transform_3, window_bounds = array<i64: 100, 128>}, {pipeline_mode = #tpu.pipeline_mode<synchronous>, transform_indices = @transform_4, window_bounds = array<i64: 128, 128>}, {pipeline_mode = #tpu.pipeline_mode<synchronous>, transform_indices = @transform_5, window_bounds = array<i64: 50, 128>}, {pipeline_mode = #tpu.pipeline_mode<synchronous>, transform_indices = @transform_6, window_bounds = array<i64: 128>}, {pipeline_mode = #tpu.pipeline_mode<synchronous>, transform_indices = @transform_7, window_bounds = array<i64: 128, 128>}, {pipeline_mode = #tpu.pipeline_mode<synchronous>, transform_indices = @transform_8, window_bounds = array<i64: 128>}, {transform_indices = @transform_9, window_bounds = array<i64: 2560, 128>}]} {
    %eq3A = arith.constant 0 : i32
    %eq3A_0 = arith.cmpi eq, %arg0, %eq3A : i32
    %convert_element_type3A = arith.extui %eq3A_0 : i1 to i32
    %cond3A = arith.constant 0 : i32
    %cond3A_1 = arith.cmpi ne, %convert_element_type3A, %cond3A : i32
    scf.if %cond3A_1 {
      %get3A_63 = arith.constant 0 : index
      %get3A_64 = arith.constant 0 : index
      %get3A_65 = vector.load %arg4[%get3A_63, %get3A_64] : memref<100x128xf32, #tpu.memory_space<vmem>>, vector<100x128xf32>
      %get3A_66 = arith.constant 0 : index
      %get3A_67 = arith.constant 0 : index
      %get3A_68 = vector.load %arg5[%get3A_66, %get3A_67] : memref<128x128xf32, #tpu.memory_space<vmem>>, vector<128x128xf32>
      %dot_general3A_69 = arith.constant dense<0.000000e+00> : vector<100x128xf32>
      %dot_general3A_70 = tpu.matmul %get3A_65, %get3A_68, %dot_general3A_69 {dimension_numbers = #tpu.dot_dimension_numbers<[1], [0], [0], [1], [0, 0, 1, 1], [], []>, transpose_lhs_hint = false} : vector<100x128xf32>, vector<128x128xf32>, vector<100x128xf32> -> vector<100x128xf32>
      %swap3A_71 = arith.constant 0 : index
      %swap3A_72 = arith.constant 0 : index
      %swap3A_73 = vector.load %arg11[%swap3A_71, %swap3A_72] : memref<100x128xf32, #tpu.memory_space<vmem>>, vector<100x128xf32>
      tpu.vector_store %arg11[%swap3A_71, %swap3A_72], %dot_general3A_70 {strides = array<i32>} : memref<100x128xf32, #tpu.memory_space<vmem>>, vector<100x128xf32>,
    } else {
    }
    %get3A = arith.constant 0 : index
    %get3A_2 = arith.constant 0 : index
    %get3A_3 = vector.load %arg1[%get3A, %get3A_2] : memref<2560x1xi32, #tpu.memory_space<vmem>>, vector<2560x1xi32>
    %get3A_4 = arith.constant 0 : index
    %get3A_5 = arith.constant 0 : index
    %get3A_6 = vector.load %arg2[%get3A_4, %get3A_5] : memref<2560x1xf32, #tpu.memory_space<vmem>>, vector<2560x1xf32>
    %get3A_7 = arith.constant 0 : index
    %get3A_8 = arith.constant 0 : index
    %get3A_9 = vector.load %arg3[%get3A_7, %get3A_8] : memref<2560x1xf32, #tpu.memory_space<vmem>>, vector<2560x1xf32>
    %iota3A = tpu.iota {dimensions = array<i32: 1>} : vector<1x50xi32>
    %convert_element_type3A_10 = arith.sitofp %iota3A : vector<1x50xi32> to vector<1x50xf32>
    %mul3A = arith.constant 0.20408164 : f32
    %mul3A_11 = vector.broadcast %mul3A : f32 to vector<1x50xf32>
    %mul3A_12 = arith.mulf %convert_element_type3A_10, %mul3A_11 : vector<1x50xf32>
    %sub3A = vector.broadcast %get3A_6 : vector<2560x1xf32> to vector<2560x50xf32>
    %sub3A_13 = vector.broadcast %mul3A_12 : vector<1x50xf32> to vector<2560x50xf32>
    %sub3A_14 = arith.subf %sub3A, %sub3A_13 : vector<2560x50xf32>
    %integer_pow3A = arith.mulf %sub3A_14, %sub3A_14 : vector<2560x50xf32>
    %mul3A_15 = arith.constant -1.200500e+01 : f32
    %mul3A_16 = vector.broadcast %mul3A_15 : f32 to vector<2560x50xf32>
    %mul3A_17 = arith.mulf %mul3A_16, %integer_pow3A : vector<2560x50xf32>
    %exp3A = math.exp %mul3A_17 : vector<2560x50xf32>
    %get3A_18 = arith.constant 0 : index
    %get3A_19 = arith.constant 0 : index
    %get3A_20 = vector.load %arg6[%get3A_18, %get3A_19] : memref<50x128xf32, #tpu.memory_space<vmem>>, vector<50x128xf32>
    %dot_general3A = arith.constant dense<0.000000e+00> : vector<2560x128xf32>
    %dot_general3A_21 = tpu.matmul %exp3A, %get3A_20, %dot_general3A {dimension_numbers = #tpu.dot_dimension_numbers<[1], [0], [0], [1], [0, 0, 1, 1], [], []>, transpose_lhs_hint = false} : vector<2560x50xf32>, vector<50x128xf32>, vector<2560x128xf32> -> vector<2560x128xf32>
    %get3A_22 = arith.constant 0 : index
    %get3A_23 = vector.load %arg7[%get3A_22] : memref<128xf32, #tpu.memory_space<vmem>>, vector<128xf32>
    %broadcast_in_dim3A = vector.shape_cast %get3A_23 : vector<128xf32> to vector<1x128xf32>
    %add3A = vector.broadcast %broadcast_in_dim3A : vector<1x128xf32> to vector<2560x128xf32>
    %add3A_24 = arith.addf %dot_general3A_21, %add3A : vector<2560x128xf32>
    %max3A = arith.constant 0.000000e+00 : f32
    %max3A_25 = vector.broadcast %max3A : f32 to vector<2560x128xf32>
    %max3A_26 = arith.maximumf %add3A_24, %max3A_25 : vector<2560x128xf32>
    %abs3A = math.absf %add3A_24 : vector<2560x128xf32>
    %neg3A = arith.constant 0.000000e+00 : f32
    %neg3A_27 = vector.broadcast %neg3A : f32 to vector<2560x128xf32>
    %neg3A_28 = arith.subf %neg3A_27, %abs3A : vector<2560x128xf32>
    %exp3A_29 = math.exp %neg3A_28 : vector<2560x128xf32>
    %add3A_30 = arith.constant 1.000000e+00 : f32
    %add3A_31 = vector.broadcast %add3A_30 : f32 to vector<2560x128xf32>
    %add3A_32 = arith.addf %add3A_31, %exp3A_29 : vector<2560x128xf32>
    %log3A = math.log %add3A_32 : vector<2560x128xf32>
    %add3A_33 = arith.addf %max3A_26, %log3A : vector<2560x128xf32>
    %sub3A_34 = arith.constant 0.693147182 : f32
    %sub3A_35 = vector.broadcast %sub3A_34 : f32 to vector<2560x128xf32>
    %sub3A_36 = arith.subf %add3A_33, %sub3A_35 : vector<2560x128xf32>
    %get3A_37 = arith.constant 0 : index
    %get3A_38 = arith.constant 0 : index
    %get3A_39 = vector.load %arg8[%get3A_37, %get3A_38] : memref<128x128xf32, #tpu.memory_space<vmem>>, vector<128x128xf32>
    %dot_general3A_40 = arith.constant dense<0.000000e+00> : vector<2560x128xf32>
    %dot_general3A_41 = tpu.matmul %sub3A_36, %get3A_39, %dot_general3A_40 {dimension_numbers = #tpu.dot_dimension_numbers<[1], [0], [0], [1], [0, 0, 1, 1], [], []>, transpose_lhs_hint = false} : vector<2560x128xf32>, vector<128x128xf32>, vector<2560x128xf32> -> vector<2560x128xf32>
    %get3A_42 = arith.constant 0 : index
    %get3A_43 = vector.load %arg9[%get3A_42] : memref<128xf32, #tpu.memory_space<vmem>>, vector<128xf32>
    %broadcast_in_dim3A_44 = vector.shape_cast %get3A_43 : vector<128xf32> to vector<1x128xf32>
    %add3A_45 = vector.broadcast %broadcast_in_dim3A_44 : vector<1x128xf32> to vector<2560x128xf32>
    %add3A_46 = arith.addf %dot_general3A_41, %add3A_45 : vector<2560x128xf32>
    %iota3A_47 = tpu.iota {dimensions = array<i32: 1>} : vector<1x100xi32>
    %eq3A_48 = vector.broadcast %get3A_3 : vector<2560x1xi32> to vector<2560x100xi32>
    %eq3A_49 = vector.broadcast %iota3A_47 : vector<1x100xi32> to vector<2560x100xi32>
    %eq3A_50 = arith.cmpi eq, %eq3A_48, %eq3A_49 : vector<2560x100xi32>
    %convert_element_type3A_51 = arith.extui %eq3A_50 : vector<2560x100xi1> to vector<2560x100xi32>
    %convert_element_type3A_52 = arith.sitofp %convert_element_type3A_51 : vector<2560x100xi32> to vector<2560x100xf32>
    %get3A_53 = arith.constant 0 : index
    %get3A_54 = arith.constant 0 : index
    %get3A_55 = vector.load %arg11[%get3A_53, %get3A_54] : memref<100x128xf32, #tpu.memory_space<vmem>>, vector<100x128xf32>
    %dot_general3A_56 = arith.constant dense<0.000000e+00> : vector<2560x128xf32>
    %dot_general3A_57 = tpu.matmul %convert_element_type3A_52, %get3A_55, %dot_general3A_56 {dimension_numbers = #tpu.dot_dimension_numbers<[1], [0], [0], [1], [0, 0, 1, 1], [], []>, transpose_lhs_hint = false} : vector<2560x100xf32>, vector<100x128xf32>, vector<2560x128xf32> -> vector<2560x128xf32>
    %mul3A_58 = vector.broadcast %get3A_9 : vector<2560x1xf32> to vector<2560x128xf32>
    %mul3A_59 = arith.mulf %add3A_46, %mul3A_58 : vector<2560x128xf32>
    %mul3A_60 = arith.mulf %dot_general3A_57, %mul3A_59 : vector<2560x128xf32>
    %swap3A = arith.constant 0 : index
    %swap3A_61 = arith.constant 0 : index
    %swap3A_62 = vector.load %arg10[%swap3A, %swap3A_61] : memref<2560x128xf32, #tpu.memory_space<vmem>>, vector<2560x128xf32>
    tpu.vector_store %arg10[%swap3A, %swap3A_61], %mul3A_60 {strides = array<i32>} : memref<2560x128xf32, #tpu.memory_space<vmem>>, vector<2560x128xf32>,
    return
  }
  func.func @transform_0(%arg0: i32) -> (i32, i32) {
    %c0_i32 = arith.constant 0 : i32
    %c0_i32_0 = arith.constant 0 : i32
    return %arg0, %c0_i32 : i32, i32
  }
  func.func @transform_1(%arg0: i32) -> (i32, i32) {
    %c0_i32 = arith.constant 0 : i32
    %c0_i32_0 = arith.constant 0 : i32
    return %arg0, %c0_i32 : i32, i32
  }
  func.func @transform_2(%arg0: i32) -> (i32, i32) {
    %c0_i32 = arith.constant 0 : i32
    %c0_i32_0 = arith.constant 0 : i32
    return %arg0, %c0_i32 : i32, i32
  }
  func.func @transform_3(%arg0: i32) -> (i32, i32) {
    %c0_i32 = arith.constant 0 : i32
    %c0_i32_0 = arith.constant 0 : i32
    %c0_i32_1 = arith.constant 0 : i32
    return %c0_i32, %c0_i32_0 : i32, i32
  }
  func.func @transform_4(%arg0: i32) -> (i32, i32) {
    %c0_i32 = arith.constant 0 : i32
    %c0_i32_0 = arith.constant 0 : i32
    %c0_i32_1 = arith.constant 0 : i32
    return %c0_i32, %c0_i32_0 : i32, i32
  }
  func.func @transform_5(%arg0: i32) -> (i32, i32) {
    %c0_i32 = arith.constant 0 : i32
    %c0_i32_0 = arith.constant 0 : i32
    %c0_i32_1 = arith.constant 0 : i32
    return %c0_i32, %c0_i32_0 : i32, i32
  }
  func.func @transform_6(%arg0: i32) -> i32 {
    %c0_i32 = arith.constant 0 : i32
    %c0_i32_0 = arith.constant 0 : i32
    return %c0_i32 : i32
  }
  func.func @transform_7(%arg0: i32) -> (i32, i32) {
    %c0_i32 = arith.constant 0 : i32
    %c0_i32_0 = arith.constant 0 : i32
    %c0_i32_1 = arith.constant 0 : i32
    return %c0_i32, %c0_i32_0 : i32, i32
  }
  func.func @transform_8(%arg0: i32) -> i32 {
    %c0_i32 = arith.constant 0 : i32
    %c0_i32_0 = arith.constant 0 : i32
    return %c0_i32 : i32
  }
  func.func @transform_9(%arg0: i32) -> (i32, i32) {
    %c0_i32 = arith.constant 0 : i32
    %c0_i32_0 = arith.constant 0 : i32
    return %arg0, %c0_i32 : i32, i32
  }
}

module attributes {stable_mosaic.version = 14 : i64} {
  func.func @_node_post_body(%arg0: memref<2x10240x128xf32, #tpu.memory_space<vmem>>, %arg1: memref<10000x1xi32, #tpu.memory_space<vmem>>, %arg2: memref<10000x1xi32, #tpu.memory_space<vmem>>, %arg3: memref<100x128xf32, #tpu.memory_space<vmem>>, %arg4: memref<128x128xf32, #tpu.memory_space<vmem>>, %arg5: memref<128xf32, #tpu.memory_space<vmem>>, %arg6: memref<128x128xf32, #tpu.memory_space<vmem>>, %arg7: memref<128xf32, #tpu.memory_space<vmem>>, %arg8: memref<128x64xf32, #tpu.memory_space<vmem>>, %arg9: memref<64xf32, #tpu.memory_space<vmem>>, %arg10: memref<64x1xf32, #tpu.memory_space<vmem>>, %arg11: memref<1xf32, #tpu.memory_space<vmem>>, %arg12: memref<10000x1xf32, #tpu.memory_space<vmem>>, %arg13: memref<256x1xf32, #tpu.memory_space<vmem>>) attributes {dimension_semantics = [], scalar_prefetch = 0 : i64, scratch_operands = 0 : i64, tpu.core_type = #tpu.core_type<tc>} {
    %get3A = arith.constant 0 : index
    %get3A_0 = arith.constant 0 : index
    %get3A_1 = arith.constant 0 : index
    %get3A_2 = vector.load %arg0[%get3A, %get3A_0, %get3A_1] : memref<2x10240x128xf32, #tpu.memory_space<vmem>>, vector<1x10000x128xf32>
    %get3A_3 = vector.shape_cast %get3A_2 : vector<1x10000x128xf32> to vector<10000x128xf32>
    %get3A_4 = arith.constant 1 : index
    %get3A_5 = arith.constant 0 : index
    %get3A_6 = arith.constant 0 : index
    %get3A_7 = vector.load %arg0[%get3A_4, %get3A_5, %get3A_6] : memref<2x10240x128xf32, #tpu.memory_space<vmem>>, vector<1x10000x128xf32>
    %get3A_8 = vector.shape_cast %get3A_7 : vector<1x10000x128xf32> to vector<10000x128xf32>
    %add3A = arith.addf %get3A_3, %get3A_8 : vector<10000x128xf32>
    %get3A_9 = arith.constant 0 : index
    %get3A_10 = arith.constant 0 : index
    %get3A_11 = vector.load %arg4[%get3A_9, %get3A_10] : memref<128x128xf32, #tpu.memory_space<vmem>>, vector<128x128xf32>
    %dot_general3A = arith.constant dense<0.000000e+00> : vector<10000x128xf32>
    %dot_general3A_12 = tpu.matmul %add3A, %get3A_11, %dot_general3A {dimension_numbers = #tpu.dot_dimension_numbers<[1], [0], [0], [1], [0, 0, 1, 1], [], []>, transpose_lhs_hint = false} : vector<10000x128xf32>, vector<128x128xf32>, vector<10000x128xf32> -> vector<10000x128xf32>
    %get3A_13 = arith.constant 0 : index
    %get3A_14 = vector.load %arg5[%get3A_13] : memref<128xf32, #tpu.memory_space<vmem>>, vector<128xf32>
    %broadcast_in_dim3A = vector.shape_cast %get3A_14 : vector<128xf32> to vector<1x128xf32>
    %add3A_15 = vector.broadcast %broadcast_in_dim3A : vector<1x128xf32> to vector<10000x128xf32>
    %add3A_16 = arith.addf %dot_general3A_12, %add3A_15 : vector<10000x128xf32>
    %max3A = arith.constant 0.000000e+00 : f32
    %max3A_17 = vector.broadcast %max3A : f32 to vector<10000x128xf32>
    %max3A_18 = arith.maximumf %add3A_16, %max3A_17 : vector<10000x128xf32>
    %abs3A = math.absf %add3A_16 : vector<10000x128xf32>
    %neg3A = arith.constant 0.000000e+00 : f32
    %neg3A_19 = vector.broadcast %neg3A : f32 to vector<10000x128xf32>
    %neg3A_20 = arith.subf %neg3A_19, %abs3A : vector<10000x128xf32>
    %exp3A = math.exp %neg3A_20 : vector<10000x128xf32>
    %add3A_21 = arith.constant 1.000000e+00 : f32
    %add3A_22 = vector.broadcast %add3A_21 : f32 to vector<10000x128xf32>
    %add3A_23 = arith.addf %add3A_22, %exp3A : vector<10000x128xf32>
    %log3A = math.log %add3A_23 : vector<10000x128xf32>
    %add3A_24 = arith.addf %max3A_18, %log3A : vector<10000x128xf32>
    %sub3A = arith.constant 0.693147182 : f32
    %sub3A_25 = vector.broadcast %sub3A : f32 to vector<10000x128xf32>
    %sub3A_26 = arith.subf %add3A_24, %sub3A_25 : vector<10000x128xf32>
    %get3A_27 = arith.constant 0 : index
    %get3A_28 = arith.constant 0 : index
    %get3A_29 = vector.load %arg6[%get3A_27, %get3A_28] : memref<128x128xf32, #tpu.memory_space<vmem>>, vector<128x128xf32>
    %dot_general3A_30 = arith.constant dense<0.000000e+00> : vector<10000x128xf32>
    %dot_general3A_31 = tpu.matmul %sub3A_26, %get3A_29, %dot_general3A_30 {dimension_numbers = #tpu.dot_dimension_numbers<[1], [0], [0], [1], [0, 0, 1, 1], [], []>, transpose_lhs_hint = false} : vector<10000x128xf32>, vector<128x128xf32>, vector<10000x128xf32> -> vector<10000x128xf32>
    %get3A_32 = arith.constant 0 : index
    %get3A_33 = vector.load %arg7[%get3A_32] : memref<128xf32, #tpu.memory_space<vmem>>, vector<128xf32>
    %broadcast_in_dim3A_34 = vector.shape_cast %get3A_33 : vector<128xf32> to vector<1x128xf32>
    %add3A_35 = vector.broadcast %broadcast_in_dim3A_34 : vector<1x128xf32> to vector<10000x128xf32>
    %add3A_36 = arith.addf %dot_general3A_31, %add3A_35 : vector<10000x128xf32>
    %get3A_37 = arith.constant 0 : index
    %get3A_38 = arith.constant 0 : index
    %get3A_39 = vector.load %arg1[%get3A_37, %get3A_38] : memref<10000x1xi32, #tpu.memory_space<vmem>>, vector<10000x1xi32>
    %iota3A = tpu.iota {dimensions = array<i32: 1>} : vector<1x100xi32>
    %eq3A = vector.broadcast %get3A_39 : vector<10000x1xi32> to vector<10000x100xi32>
    %eq3A_40 = vector.broadcast %iota3A : vector<1x100xi32> to vector<10000x100xi32>
    %eq3A_41 = arith.cmpi eq, %eq3A, %eq3A_40 : vector<10000x100xi32>
    %convert_element_type3A = arith.extui %eq3A_41 : vector<10000x100xi1> to vector<10000x100xi32>
    %convert_element_type3A_42 = arith.sitofp %convert_element_type3A : vector<10000x100xi32> to vector<10000x100xf32>
    %get3A_43 = arith.constant 0 : index
    %get3A_44 = arith.constant 0 : index
    %get3A_45 = vector.load %arg3[%get3A_43, %get3A_44] : memref<100x128xf32, #tpu.memory_space<vmem>>, vector<100x128xf32>
    %dot_general3A_46 = arith.constant dense<0.000000e+00> : vector<10000x128xf32>
    %dot_general3A_47 = tpu.matmul %convert_element_type3A_42, %get3A_45, %dot_general3A_46 {dimension_numbers = #tpu.dot_dimension_numbers<[1], [0], [0], [1], [0, 0, 1, 1], [], []>, transpose_lhs_hint = false} : vector<10000x100xf32>, vector<100x128xf32>, vector<10000x128xf32> -> vector<10000x128xf32>
    %add3A_48 = arith.addf %dot_general3A_47, %add3A_36 : vector<10000x128xf32>
    %get3A_49 = arith.constant 0 : index
    %get3A_50 = arith.constant 0 : index
    %get3A_51 = vector.load %arg8[%get3A_49, %get3A_50] : memref<128x64xf32, #tpu.memory_space<vmem>>, vector<128x64xf32>
    %dot_general3A_52 = arith.constant dense<0.000000e+00> : vector<10000x64xf32>
    %dot_general3A_53 = tpu.matmul %add3A_48, %get3A_51, %dot_general3A_52 {dimension_numbers = #tpu.dot_dimension_numbers<[1], [0], [0], [1], [0, 0, 1, 1], [], []>, transpose_lhs_hint = false} : vector<10000x128xf32>, vector<128x64xf32>, vector<10000x64xf32> -> vector<10000x64xf32>
    %get3A_54 = arith.constant 0 : index
    %get3A_55 = vector.load %arg9[%get3A_54] : memref<64xf32, #tpu.memory_space<vmem>>, vector<64xf32>
    %broadcast_in_dim3A_56 = vector.shape_cast %get3A_55 : vector<64xf32> to vector<1x64xf32>
    %add3A_57 = vector.broadcast %broadcast_in_dim3A_56 : vector<1x64xf32> to vector<10000x64xf32>
    %add3A_58 = arith.addf %dot_general3A_53, %add3A_57 : vector<10000x64xf32>
    %max3A_59 = arith.constant 0.000000e+00 : f32
    %max3A_60 = vector.broadcast %max3A_59 : f32 to vector<10000x64xf32>
    %max3A_61 = arith.maximumf %add3A_58, %max3A_60 : vector<10000x64xf32>
    %abs3A_62 = math.absf %add3A_58 : vector<10000x64xf32>
    %neg3A_63 = arith.constant 0.000000e+00 : f32
    %neg3A_64 = vector.broadcast %neg3A_63 : f32 to vector<10000x64xf32>
    %neg3A_65 = arith.subf %neg3A_64, %abs3A_62 : vector<10000x64xf32>
    %exp3A_66 = math.exp %neg3A_65 : vector<10000x64xf32>
    %add3A_67 = arith.constant 1.000000e+00 : f32
    %add3A_68 = vector.broadcast %add3A_67 : f32 to vector<10000x64xf32>
    %add3A_69 = arith.addf %add3A_68, %exp3A_66 : vector<10000x64xf32>
    %log3A_70 = math.log %add3A_69 : vector<10000x64xf32>
    %add3A_71 = arith.addf %max3A_61, %log3A_70 : vector<10000x64xf32>
    %sub3A_72 = arith.constant 0.693147182 : f32
    %sub3A_73 = vector.broadcast %sub3A_72 : f32 to vector<10000x64xf32>
    %sub3A_74 = arith.subf %add3A_71, %sub3A_73 : vector<10000x64xf32>
    %get3A_75 = arith.constant 0 : index
    %get3A_76 = arith.constant 0 : index
    %get3A_77 = vector.load %arg10[%get3A_75, %get3A_76] : memref<64x1xf32, #tpu.memory_space<vmem>>, vector<64x1xf32>
    %dot_general3A_78 = arith.constant dense<0.000000e+00> : vector<10000x1xf32>
    %dot_general3A_79 = tpu.matmul %sub3A_74, %get3A_77, %dot_general3A_78 {dimension_numbers = #tpu.dot_dimension_numbers<[1], [0], [0], [1], [0, 0, 1, 1], [], []>, transpose_lhs_hint = false} : vector<10000x64xf32>, vector<64x1xf32>, vector<10000x1xf32> -> vector<10000x1xf32>
    %get3A_80 = arith.constant 0 : index
    %get3A_81 = vector.load %arg11[%get3A_80] : memref<1xf32, #tpu.memory_space<vmem>>, vector<1xf32>
    %broadcast_in_dim3A_82 = vector.shape_cast %get3A_81 : vector<1xf32> to vector<1x1xf32>
    %add3A_83 = vector.broadcast %broadcast_in_dim3A_82 : vector<1x1xf32> to vector<10000x1xf32>
    %add3A_84 = arith.addf %dot_general3A_79, %add3A_83 : vector<10000x1xf32>
    %swap3A = arith.constant 0 : index
    %swap3A_85 = arith.constant 0 : index
    %swap3A_86 = vector.load %arg12[%swap3A, %swap3A_85] : memref<10000x1xf32, #tpu.memory_space<vmem>>, vector<10000x1xf32>
    tpu.vector_store %arg12[%swap3A, %swap3A_85], %add3A_84 {strides = array<i32>} : memref<10000x1xf32, #tpu.memory_space<vmem>>, vector<10000x1xf32>,
    %get3A_87 = arith.constant 0 : index
    %get3A_88 = arith.constant 0 : index
    %get3A_89 = vector.load %arg2[%get3A_87, %get3A_88] : memref<10000x1xi32, #tpu.memory_space<vmem>>, vector<10000x1xi32>
    %iota3A_90 = tpu.iota {dimensions = array<i32: 1>} : vector<1x256xi32>
    %eq3A_91 = vector.broadcast %get3A_89 : vector<10000x1xi32> to vector<10000x256xi32>
    %eq3A_92 = vector.broadcast %iota3A_90 : vector<1x256xi32> to vector<10000x256xi32>
    %eq3A_93 = arith.cmpi eq, %eq3A_91, %eq3A_92 : vector<10000x256xi32>
    %convert_element_type3A_94 = arith.extui %eq3A_93 : vector<10000x256xi1> to vector<10000x256xi32>
    %convert_element_type3A_95 = arith.sitofp %convert_element_type3A_94 : vector<10000x256xi32> to vector<10000x256xf32>
    %dot_general3A_96 = arith.constant dense<0.000000e+00> : vector<256x1xf32>
    %dot_general3A_97 = tpu.matmul %convert_element_type3A_95, %add3A_84, %dot_general3A_96 {dimension_numbers = #tpu.dot_dimension_numbers<[0], [0], [1], [1], [0, 1, 1, 1], [], []>, transpose_lhs_hint = false} : vector<10000x256xf32>, vector<10000x1xf32>, vector<256x1xf32> -> vector<256x1xf32>
    %swap3A_98 = arith.constant 0 : index
    %swap3A_99 = arith.constant 0 : index
    %swap3A_100 = vector.load %arg13[%swap3A_98, %swap3A_99] : memref<256x1xf32, #tpu.memory_space<vmem>>, vector<256x1xf32>
    tpu.vector_store %arg13[%swap3A_98, %swap3A_99], %dot_general3A_97 {strides = array<i32>} : memref<256x1xf32, #tpu.memory_space<vmem>>, vector<256x1xf32>,
    return
  }
}

</mosaic_0001>

<sc_bundles>
// kernel: kernel.10.cloned.1.call-start
scs
__scs_entry_jumppad:
0x0: {  	(pc) =	sbr.rel $0x88, $3  }
0x1: {  	(tag) =	ssettag $0x0;
	lr =	simm.s32 $0x1  }
0x2: {  	[smem:$0x3F8F] =	sst lr;
	_ =	strace $0xD0000000  }
0x3: {  	_ = 	snop  }
0x4: {  	_ = 	snop  }
0x5: {  	_ = 	snop  }
0x6: {  	_ = 	snop  }
0x7: {  	_ = 	snop  }
__scs_overlays_trampoline_lowered:
0x8: {  	[smem:$0x3F9E] =	sst s0  }
0x9: {  	[smem:$0x3F9F] =	sst s1  }
0xa: {  	[smem:$0x3FA0] =	sst s2  }
0xb: {  	[smem:$0x3FA1] =	sst s3  }
0xc: {  	[smem:$0x3FA2] =	sst s4  }
0xd: {  	[smem:$0x3FA3] =	sst s5  }
0xe: {  	[smem:$0x3FA4] =	sst s6  }
0xf: {  	[smem:$0x3FA5] =	sst s7  }
0x10: {  	[smem:$0x3FA6] =	sst s8  }
0x11: {  	[smem:$0x3FA7] =	sst s9;
	s0 =	simm.s32 @!p0 $0x0  }
0x12: {  	s1 =	sld [smem:$0x3F8D];
	s0 =	simm.s32 @p0 $0x1  }
0x13: {  	[smem:$0x3FA8] =	sst s0;
	s0 =	simm.s32 @!p1 $0x0  }
0x14: {  	s2 =	sld [smem:$0x3F8C];
	s0 =	simm.s32 @p1 $0x1  }
0x15: {  	[smem:$0x3FA9] =	sst s0;
	s0 =	simm.s32 @!p2 $0x0  }
0x16: {  	s3 =	sld [smem:$0x3FDB];
	s0 =	simm.s32 @p2 $0x1  }
0x17: {  	s4 =	simm.s32 $0x1BF5;
	[smem:$0x3FAB] =	sst s0  }
0x18: {  	s0 =	sld [smem:$0x3F8E];
	_ =	swait.ge [sflag:s4], $0x0  }
0x19: {  	s7 =	sld [smem:$0x3F8F]  }
0x1a: {  	s8 =	sadd.s32 $0xFFFFE003, lr  }
0x1b: {  	s9 =	sadd.s32 $0xFFFFFEF7, lr;
	s5 =	simm.s32 $0xFFFFFFFF;
	p2 =	slt.u32 s8, $0xFFFFF086  }
0x1c: {  	p1 =	slt.u32 s9, $0xF7A;
	s5 =	simm.s32 @!p2 $0x0  }
0x1d: {  	s5 =	simm.s32 @p1 $0x1;
	p0 =	seq.s32 s7, s2  }
0x1e: {  	s7 =	smul.u32 @!p0 $0xF7A, s2;
	p2 =	seq.s32 @!p0 s5, $0x0  }
0x1f: {  	s9 =	smul.u32 $0xF7A, s1;
	s8 =	simm.s32 @!p0 $0x1BF5;
	p2 =	por !p2, p0  }
0x20: {  	[sflag:s8] =	ssyncset.s32 @!p0 $0xFFFFF086;
	s6 =	sadd.s32 @!p0 s3, s7;
	s7 =	simm.s32 @!p0 $0x108  }
0x21: {  	s3 =	sadd.s32 s3, s9;
	s6 =	sadd.s32 @!p0 $0x88, s6;
	s7 =	simm.s32 @p2 $0x1082  }
0x22: {  	[simem:s7], [sflag:s8] =	dma.local @!p0 [hbm:s6], $0xF7A  }
0x23: {  	s9 =	sor.u32 $0xD0000000, s2;
	s6 =	simm.s32 $0x108;
	_ =	swait.ge @!p0 [sflag:s8], $0x0  }
0x24: {  	s3 =	sadd.s32 $0x88, s3;
	s6 =	simm.s32 @!p1 $0x1082;
	[sflag:s4] =	ssyncset.s32 $0xFFFFF086  }
0x25: {  	[simem:s6], [sflag:s4] =	dma.local [hbm:s3], $0xF7A  }
0x26: {  	[smem:$0x3F8F] =	sst s1;
	(tag) =	ssettag s2;
	_ =	strace s9  }
0x27: {  	s1 =	sld [smem:$0x3F9F]  }
0x28: {  	s2 =	sld [smem:$0x3FA0]  }
0x29: {  	s4 =	sld [smem:$0x3FA2]  }
0x2a: {  	p0 =	seq.s32 s5, $0x0;
	s5 =	sld [smem:$0x3FA3]  }
0x2b: {  	s6 =	sld [smem:$0x3FA4]  }
0x2c: {  	s7 =	sld [smem:$0x3FA5]  }
0x2d: {  	s3 =	simm.s32 $0x108;
	s8 =	sld [smem:$0x3FA6]  }
0x2e: {  	s3 =	simm.s32 @!p0 $0x1082;
	s9 =	sld [smem:$0x3FA7]  }
0x2f: {  	lr =	sadd.s32 s0, s3;
	s0 =	sld [smem:$0x3F9E]  }
0x30: {  	s3 =	sld [smem:$0x3FA1]  }
0x31: {  	[smem:$0x3FAA] =	sst s10  }
0x32: {  	s10 =	sld [smem:$0x3FA8];
	_ =	sdelay $0x3  }
0x33: {  	p0 =	seq.s32 s10, $0x1;
	s10 =	sld [smem:$0x3FAA];
	_ =	sdelay $0x3  }
0x34: {  	[smem:$0x3FAA] =	sst s10  }
0x35: {  	s10 =	sld [smem:$0x3FA9];
	_ =	sdelay $0x3  }
0x36: {  	p1 =	seq.s32 s10, $0x1;
	s10 =	sld [smem:$0x3FAA];
	_ =	sdelay $0x3  }
0x37: {  	[smem:$0x3FAA] =	sst s10  }
0x38: {  	s10 =	sld [smem:$0x3FAB]  }
0x39: {  	_ = 	snop;
	(pc) =	sbr.ind lr, $3  }
0x3a: {  	_ = 	snop  }
0x3b: {  	_ = 	snop  }
0x3c: {  	p2 =	seq.s32 s10, $0x1;
	s10 =	sld [smem:$0x3FAA]  }
0x3d: {  	_ =	shalt  }
0x3e: {  	_ =	shalt  }
0x3f: {  	_ =	shalt  }
0x40: {  	_ =	shalt  }
0x41: {  	_ =	shalt  }
0x42: {  	_ =	shalt  }
0x43: {  	_ =	shalt  }
0x44: {  	_ =	shalt  }
0x45: {  	_ =	shalt  }
0x46: {  	_ =	shalt  }
0x47: {  	_ =	shalt  }
0x48: {  	_ =	shalt  }
0x49: {  	_ =	shalt  }
0x4a: {  	_ =	shalt  }
0x4b: {  	_ =	shalt  }
0x4c: {  	_ =	shalt  }
0x4d: {  	_ =	shalt  }
0x4e: {  	_ =	shalt  }
0x4f: {  	_ =	shalt  }
0x50: {  	_ =	shalt  }
0x51: {  	_ =	shalt  }
0x52: {  	_ =	shalt  }
0x53: {  	_ =	shalt  }
0x54: {  	_ =	shalt  }
0x55: {  	_ =	shalt  }
0x56: {  	_ =	shalt  }
0x57: {  	_ =	shalt  }
0x58: {  	_ =	shalt  }
0x59: {  	_ =	shalt  }
0x5a: {  	_ =	shalt  }
0x5b: {  	_ =	shalt  }
0x5c: {  	_ =	shalt  }
0x5d: {  	_ =	shalt  }
0x5e: {  	_ =	shalt  }
0x5f: {  	_ =	shalt  }
0x60: {  	_ =	shalt  }
0x61: {  	_ =	shalt  }
0x62: {  	_ =	shalt  }
0x63: {  	_ =	shalt  }
0x64: {  	_ =	shalt  }
0x65: {  	_ =	shalt  }
0x66: {  	_ =	shalt  }
0x67: {  	_ =	shalt  }
0x68: {  	_ =	shalt  }
0x69: {  	_ =	shalt  }
0x6a: {  	_ =	shalt  }
0x6b: {  	_ =	shalt  }
0x6c: {  	_ =	shalt  }
0x6d: {  	_ =	shalt  }
0x6e: {  	_ =	shalt  }
0x6f: {  	_ =	shalt  }
0x70: {  	_ =	shalt  }
0x71: {  	_ =	shalt  }
0x72: {  	_ =	shalt  }
0x73: {  	_ =	shalt  }
0x74: {  	_ =	shalt  }
0x75: {  	_ =	shalt  }
0x76: {  	_ =	shalt  }
0x77: {  	_ =	shalt  }
0x78: {  	_ =	shalt  }
0x79: {  	_ =	shalt  }
0x7a: {  	_ =	shalt  }
0x7b: {  	_ =	shalt  }
0x7c: {  	_ =	shalt  }
0x7d: {  	_ =	shalt  }
0x7e: {  	_ =	shalt  }
0x7f: {  	_ =	shalt  }
0x80: {  	_ =	shalt  }
0x81: {  	_ =	shalt  }
0x82: {  	_ =	shalt  }
0x83: {  	_ =	shalt  }
0x84: {  	_ =	shalt  }
0x85: {  	_ =	shalt  }
0x86: {  	_ =	shalt  }
0x87: {  	_ =	shalt  }
.Lfunc_end0:
.L_simem_size_0:
called_computation.1_lowered:
.L_overlay_start_0:
0x88: {  	s2 =	sld [smem:$0x3FD9]  }
0x89: {  	s3 =	sld [smem:$0x3FFE];
	_ =	sdelay $0x1  }
0x8a: {  	s1 =	srdreg.scid  }
0x8b: {  	s0 =	sand.u32 $0x1, s1  }
0x8c: {  	s16 =	sshll.u32 s0, $0xA;
	s2 =	sadd.s32 s3, s2  }
0x8d: {  	s2 =	sadd.s32 s2, s16  }
0x8e: {  	[smem:$0x3FB6] =	sst s2  }
0x8f: {  	_ = 	snop  }
0x90: {  	(tm) =	ssettm $0x1  }
0x91: {  	s17 =	sld [smem:$0x3FFB];
	_ =	sdelay $0x3  }
0x92: {  	_ =	strace s17  }
0x93: {  	s2 =	sld [smem:$0x3FFC];
	_ =	sdelay $0x3  }
0x94: {  	_ =	strace s2  }
0x95: {  	s2 =	sld [smem:$0x3FFD];
	_ =	sdelay $0x3  }
0x96: {  	_ =	strace s2  }
0x97: {  	_ =	strace $0x8FFFFFFF  }
0x98: {  	s18 =	sld [smem:$0x3FDB];
	_ =	sdelay $0x1  }
0x99: {  	s19 =	simm.s32 $_scs_section_size  }
0x9a: {  	s4 =	simm.s32 $_size__tile_overlayer_lowered;
	s5 =	simm.s32 $_tile_overlayer_lowered  }
0x9b: {  	s22 =	simm.s32 $0x1BFF;
	s21 =	sshll.u32 s5, $0x1;
	s2 =	sadd.s32 s19, s18  }
0x9c: {  	s6 =	simm.s32 $0x0;
	s20 =	sshll.u32 s4, $0x1;
	s4 =	sadd.s32 s21, s2  }
0x9d: {  	[timem:s6], [sflag:s22] =	dma.local [hbm:s4], s20  }
0x9e: {  	_ =	swait.ge [sflag:s22], s20  }
0x9f: {  	s3 =	ssub.s32 $0x0, s20;
	[sflag:s22] =	ssyncset.done $0x0  }
0xa0: {  	[sflag:s22] =	ssyncadd.s32 s3;
	_ =	sdelay $0x1  }
0xa1: {  	s23 =	simm.s32 $0x1B8B  }
0xa2: {  	_ =	swait.ge [sflag:s23], $0x1  }
0xa3: {  	[sflag:s23] =	ssyncset.done $0x0  }
0xa4: {  	s25 =	simm.s32 $0x1B8E;
	s24 =	sld [smem:$0x3FFE];
	[sflag:s23] =	ssyncadd.s32 $0xFFFFFFFF  }
0xa5: {  	s26 =	simm.s32 $execute0_lowered;
	[smem:$0x3FD2] =	sst s25  }
0xa6: {  	s4 =	sshll.u32 s26, $0x1;
	_ =	strace $0x80000049;
	[dreg:$0x1] =	wrdreg $0xFFFFFFFF  }
0xa7: {  	s28 =	simm.s32 $_size_execute0_lowered;
	s2 =	sadd.s32 s2, s4;
	[dreg:$0x0] =	wrdreg $0x0  }
0xa8: {  	s4 =	sshll.u32 s28, $0x1;
	[dreg:$0x2] =	wrdreg s2  }
0xa9: {  	[dreg:$0x3] =	wrdreg s4  }
0xaa: {  	[dreg:$0x4] =	wrdreg $0xC0  }
0xab: {  	_ =	task [dreg:s6], $0x5FFFF  }
0xac: {  	[dreg:$0x1] =	wrdreg $0xFFFFFFFF  }
0xad: {  	[dreg:$0x0] =	wrdreg $0x60  }
0xae: {  	[dreg:$0x2] =	wrdreg s24  }
0xaf: {  	[dreg:$0x3] =	wrdreg $0x90000  }
0xb0: {  	[dreg:$0x4] =	wrdreg $0x9  }
0xb1: {  	_ =	task.clear_ibuf [dreg:s6], $0x5FFFF;
	_ =	strace $0x90000049  }
0xb2: {  	s29 =	simm.s32 $0x9;
	_ =	strace $0x8000004B  }
0xb3: {  	_ =	swait.ge [sflag:s29], $0x1  }
0xb4: {  	[sflag:s29] =	ssyncadd.s32 $0xFFFFFFFF  }
0xb5: {  	_ =	strace $0x9000004B  }
0xb6: {  	_ =	sfence  }
0xb7: {  	s30 =	sld [smem:$0x0];
	_ =	sdelay $0x2  }
0xb8: {  	s31 =	sshll.u32 s1, $0xD;
	s1 =	sshrl.u32 s1, $0x2  }
0xb9: {  	s3 =	sand.u32 $0x4000, s31;
	s1 =	sadd.s32 s1, s30  }
0xba: {  	s0 =	sor.u32 s3, s0;
	s1 =	sshll.u32 s1, $0x11  }
0xbb: {  	s0 =	sor.u32 s1, s0  }
0xbc: {  	s0 =	sadd.s32 $0x8F2B, s0  }
0xbd: {  	[sflag:s0] =	ssyncadd.remote.s32 $0x1  }
0xbe: {  	_ =	sfence.sel $0xFFFF  }
0xbf: {  	[dreg:$0x0] =	wrdreg $0xFFFFFFFF;
	(pc) =	sbr.abs _section_cstart, $3  }
0xc0: {  	[dreg:$0x1] =	wrdreg $0xFFFFFFFF  }
0xc1: {  	_ =	task.clear_ibuf [dreg:s6], $0x2FFFF;
	_ =	strace $0x9FFFFFFF  }
0xc2: {  	(tm) =	ssettm $0x7FFFFFFF  }
0xc3: {  	_ =	shalt  }
tec
execute0_lowered:
.L_overlay_start_1:
0x0: {  	(tag) =	ssettag $0x1  }
0x1: {  	s5 =	rddreg [dreg:$0x0];
	s1 =	srdreg.scid  }
0x2: {  	s0 =	stileid.u32;
	s2 =	rddreg [dreg:$0x1]  }
0x3: {  	s3 =	simm.s32 $0x0;
	s15 =	simm.s32 $0x50;
	s16 =	simm.s32 $0x2  }
0x4: {  	s17 =	simm.s32 $0x3E00;
	s6 =	sand.u32 $0x1, s1;
	s13 =	smul.u32 $0x50000, s0  }
0x5: {  	s4 =	sshll.u32 s0, $0x1;
	s1 =	rddreg [dreg:$0x2];
	s29 =	smul.u32 $0x4E200, s0  }
0x6: {  	[smem:$0x7FF] =	sst s3;
	s9 =	sadd.s32 $0xEE0800, s5;
	s19 =	smul.u32 $0x2800, s0  }
0x7: {  	s28 =	sshll.u32 s0, $0x6;
	s7 =	sor.u32 s6, s4;
	s10 =	smul.u32 $0x28000, s6  }
0x8: {  	_ =	strace $0x8000004A;
	s11 =	ssub.s32 $0x2, s6;
	s30 =	smul.u32 $0x27100, s6  }
0x9: {  	s4 =	sshll.u32 s7, $0xB;
	s12 =	sshrl.u32 s11, $0x1;
	s7 =	smul.u32 $0x27100, s7  }
0xa: {  	s26 =	sshrl.u32 s13, $0x2;
	s31 =	sadd.s32 s29, s9;
	s13 =	simm.s32 $0x6800  }
0xb: {  	s8 =	sadd.s32 s4, s5;
	s4 =	sadd.s32 $0x1E00, s5;
	s10 =	sadd.s32 s10, s5  }
0xc: {  	s11 =	ssub.s32 s11, s12;
	s14 =	sadd.s32 s26, s2;
	s5 =	sor.u32 $0x1C03, s28  }
0xd: {  	s12 =	simm.s32 $0x4000;
	s6 =	sadd.s32 $0x2A800, s8;
	s7 =	sadd.s32 s9, s7  }
0xe: {  	s18 =	sadd.s32 $0x3A800, s10;
	s9 =	sadd.s32 s30, s31;
	s8 =	smax.u32 s11, $0x1  }
0xf: {  	s10 =	sshrl.u32 s14, $0x3;
	s11 =	simm.s32 $0x3;
	s14 =	simm.s32 $0x1  }
0x10: {  	s9 =	sadd.s32 $0xA00, s9;
	s18 =	sadd.s32 s19, s18;
	s19 =	simm.s32 $0x0  }
.LBB2_1:
0x11: {  	[spmem:s10], [sflag:s5] =	dma.local [hbm:s4], $0x2800  }
0x12: {  	_ =	swait.ge [sflag:s11], $0x2800  }
0x13: {  	[sflag:s11] =	ssyncset.done $0x0  }
0x14: {  	[sflag:s11] =	ssyncadd.s32 $0xFFFFD800  }
0x15: {  	[tilespmem:s3], [sflag:$0x3] =	stream.linear.gather [hbm4b:s6+s3], $0x3E80, $0x38;
	[tilespmem:$0x1D000] =	vst v63  }
0x16: {  	_ =	swait.ge [sflag:s11], $0x3E80  }
0x17: {  	[sflag:s11] =	ssyncset.done $0x0  }
0x18: {  	[sflag:s11] =	ssyncadd.s32 $0xFFFFC180  }
0x19: {  	[bflag:$0x0] =	sbarrier.arrive $0xFFFF  }
0x1a: {  	[tilespmem:s12], [sflag:$0x1] =	stream.linear.gather [hbm4b:s7+s3], $0x2800, $0x38;
	[tilespmem:$0x1D000] =	vst v63  }
0x1b: {  	s20 =	sadd.s32 $0xFFFFFB00, s9  }
0x1c: {  	[tilespmem:s13], [sflag:$0x2] =	stream.linear.gather [hbm4b:s20+s3], $0x2800, $0x38;
	[tilespmem:$0x1D000] =	vst v63  }
0x1d: {  	_ =	swait.ge [sflag:s14], $0x2800  }
0x1e: {  	[sflag:s14] =	ssyncset.done $0x0  }
0x1f: {  	s30 =	simm.s32 $0x0;
	[sflag:s14] =	ssyncadd.s32 $0xFFFFD800  }
0x20: {  	[spmem:s2] =	stream.indirect.scatter.add.f32 [tilespmem:s12], [sflag:$0x3], $0x80, s30, s15, $0xb8;
	[tilespmem:$0x1D000] =	vst v63  }
0x21: {  	_ =	swait.ge [sflag:s11], $0x2800  }
0x22: {  	[sflag:s11] =	ssyncset.done $0x0  }
0x23: {  	[sflag:s11] =	ssyncadd.s32 $0xFFFFD800  }
0x24: {  	[tilespmem:s12], [sflag:$0x1] =	stream.linear.gather [hbm4b:s9+s3], $0x2800, $0x38;
	[tilespmem:$0x1D000] =	vst v63  }
0x25: {  	_ =	swait.ge [sflag:s16], $0x2800  }
0x26: {  	[sflag:s16] =	ssyncset.done $0x0  }
0x27: {  	s31 =	simm.s32 $0x80;
	[sflag:s16] =	ssyncadd.s32 $0xFFFFD800  }
0x28: {  	[spmem:s2] =	stream.indirect.scatter.add.f32 [tilespmem:s13], [sflag:$0x3], $0x80, s31, s15, $0xb8;
	[tilespmem:$0x1D000] =	vst v63  }
0x29: {  	s21 =	simm.s32 $0x400;
	_ =	swait.ge [sflag:s11], $0x2800  }
0x2a: {  	s22 =	simm.s32 $0x800;
	s20 =	sadd.s32 $0xA00, s9;
	[sflag:s11] =	ssyncset.done $0x0  }
.LBB2_2:
0x2b: {  	p0 =	sne.s32 s22, $0xF400;
	s23 =	sadd.s32 $0xFFFFFB00, s20;
	[sflag:s11] =	ssyncadd.s32 $0xFFFFD800  }
0x2c: {  	[tilespmem:s13], [sflag:$0x2] =	stream.linear.gather [hbm4b:s23+s3], $0x2800, $0x38;
	[tilespmem:$0x1D000] =	vst v63  }
0x2d: {  	s23 =	smov.u32 s22;
	s22 =	sadd.s32 $0x400, s22;
	_ =	swait.ge [sflag:s14], $0x2800  }
0x2e: {  	[sflag:s14] =	ssyncset.done $0x0  }
0x2f: {  	s24 =	sshra.s32 s21, $0x2;
	s21 =	smov.u32 s23;
	[sflag:s14] =	ssyncadd.s32 $0xFFFFD800  }
0x30: {  	[spmem:s2] =	stream.indirect.scatter.add.f32 [tilespmem:s12], [sflag:$0x3], $0x80, s24, s15, $0xb8;
	[tilespmem:$0x1D000] =	vst v63  }
0x31: {  	_ =	swait.ge [sflag:s11], $0x2800  }
0x32: {  	[sflag:s11] =	ssyncset.done $0x0  }
0x33: {  	[sflag:s11] =	ssyncadd.s32 $0xFFFFD800  }
0x34: {  	[tilespmem:s12], [sflag:$0x1] =	stream.linear.gather [hbm4b:s20+s3], $0x2800, $0x38;
	[tilespmem:$0x1D000] =	vst v63  }
0x35: {  	_ =	swait.ge [sflag:s16], $0x2800  }
.Ltmp0:
0x36: {  	[sflag:s16] =	ssyncset.done $0x0;
	(pc) =	sbr.rel @p0 .LBB2_2-.Ltmp0, $4  }
0x37: {  	s23 =	sadd.s32 $0x80, s24;
	[sflag:s16] =	ssyncadd.s32 $0xFFFFD800  }
0x38: {  	[spmem:s2] =	stream.indirect.scatter.add.f32 [tilespmem:s13], [sflag:$0x3], $0x80, s23, s15, $0xb8;
	[tilespmem:$0x1D000] =	vst v63  }
0x39: {  	_ =	swait.ge [sflag:s11], $0x2800  }
0x3a: {  	s20 =	sadd.s32 $0xA00, s20;
	[sflag:s11] =	ssyncset.done $0x0  }
0x3b: {  	s22 =	sadd.s32 $0xFFFFFB00, s20;
	[sflag:s11] =	ssyncadd.s32 $0xFFFFD800  }
0x3c: {  	[tilespmem:s13], [sflag:$0x2] =	stream.linear.gather [hbm4b:s22+s3], $0x2800, $0x38;
	[tilespmem:$0x1D000] =	vst v63  }
0x3d: {  	_ =	swait.ge [sflag:s14], $0x2800  }
0x3e: {  	[sflag:s14] =	ssyncset.done $0x0  }
0x3f: {  	s21 =	sshra.s32 s21, $0x2;
	[sflag:s14] =	ssyncadd.s32 $0xFFFFD800  }
0x40: {  	[spmem:s2] =	stream.indirect.scatter.add.f32 [tilespmem:s12], [sflag:$0x3], $0x80, s21, s15, $0xb8;
	[tilespmem:$0x1D000] =	vst v63  }
0x41: {  	_ =	swait.ge [sflag:s11], $0x2800  }
0x42: {  	[sflag:s11] =	ssyncset.done $0x0  }
0x43: {  	[sflag:s11] =	ssyncadd.s32 $0xFFFFD800  }
0x44: {  	[tilespmem:s12], [sflag:$0x1] =	stream.linear.gather [hbm4b:s20+s3], $0x2800, $0x38;
	[tilespmem:$0x1D000] =	vst v63  }
0x45: {  	_ =	swait.ge [sflag:s16], $0x2800  }
0x46: {  	[sflag:s16] =	ssyncset.done $0x0  }
0x47: {  	s31 =	sadd.s32 $0x80, s21;
	[sflag:s16] =	ssyncadd.s32 $0xFFFFD800  }
0x48: {  	[spmem:s2] =	stream.indirect.scatter.add.f32 [tilespmem:s13], [sflag:$0x3], $0x80, s31, s15, $0xb8;
	[tilespmem:$0x1D000] =	vst v63  }
0x49: {  	_ =	swait.ge [sflag:s11], $0x2800  }
0x4a: {  	[sflag:s11] =	ssyncset.done $0x0  }
0x4b: {  	[sflag:s11] =	ssyncadd.s32 $0xFFFFD800  }
0x4c: {  	_ =	swait.ge [sflag:s14], $0x2800  }
0x4d: {  	[sflag:s14] =	ssyncset.done $0x0  }
0x4e: {  	[sflag:s14] =	ssyncadd.s32 $0xFFFFD800  }
0x4f: {  	[spmem:s2] =	stream.indirect.scatter.add.f32 [tilespmem:s12], [sflag:$0x3], $0x80, s17, s15, $0xb8;
	[tilespmem:$0x1D000] =	vst v63  }
0x50: {  	_ =	swait.ge [sflag:s11], $0x2800  }
0x51: {  	s19 =	sadd.s32 $0x1, s19;
	[sflag:s11] =	ssyncset.done $0x0  }
0x52: {  	p0 =	sne.s32 s19, s8;
	[sflag:s11] =	ssyncadd.s32 $0xFFFFD800  }
.Ltmp1:
0x53: {  	[bflag:$0x0] =	sbarrier.arrive $0xFFFF;
	(pc) =	sbr.rel @p0 .LBB2_1-.Ltmp1, $4  }
0x54: {  	[hbm:s18], [sflag:s5] =	dma.local [spmem:s10], $0x2800  }
0x55: {  	_ =	swait.ge [sflag:s11], $0x2800  }
0x56: {  	[sflag:s11] =	ssyncset.done $0x0  }
0x57: {  	[sflag:s11] =	ssyncadd.s32 $0xFFFFD800  }
0x58: {  	_ =	sfence.sel $0x180000  }
0x59: {  	[bflag:$0x0] =	sbarrier.arrive $0xFFFF  }
0x5a: {  	p0 =	sne.s32 s0, $0x0;
	_ =	strace $0x9000004A  }
0x5b: {  	s0 =	sadd.s32 @!p0 $0x100000, s1;
	[bflag:$0x2] =	sbarrier.arrive $0xFFFF  }
0x5c: {  	[sflag:s0] =	ssyncadd.tile.s32 @!p0 $0x1;
	_ =	shalt  }
.Lfunc_end2:
_tile_overlayer_lowered:
.L_overlay_start_2:
0x5d: {  	(tag) =	ssettag $0x2  }
0x5e: {  	s0 =	rddreg [dreg:$0x0];
	s2 =	stileid.u32  }
0x5f: {  	s1 =	rddreg [dreg:$0x1];
	p0 =	sne.s32 s2, $0x0  }
0x60: {  	s3 =	rddreg [dreg:$0x2];
	[bflag:$0x3] =	sbarrier.arrive $0xFFFF;
	s2 =	simm.s32 @!p0 $0x1C03  }
0x61: {  	[timem:s3], [sflag:s2] =	dma.local @!p0 [hbm:s0], s1  }
0x62: {  	s0 =	simm.s32 @!p0 $0x3  }
0x63: {  	_ =	swait.ge @!p0 [sflag:s0], s1  }
0x64: {  	s1 =	ssub.s32 @!p0 $0x0, s1;
	[sflag:s0] =	ssyncset.done @!p0 $0x0  }
0x65: {  	[sflag:s0] =	ssyncadd.s32 @!p0 s1  }
0x66: {  	[bflag:$0x3] =	sbarrier.arrive $0xFFFF  }
0x67: {  	_ =	shalt  }

// kernel: kernel.7.cloned.1.call-start
scs
__scs_entry_jumppad:
0x0: {  	(pc) =	sbr.rel $0x88, $3  }
0x1: {  	(tag) =	ssettag $0x0;
	lr =	simm.s32 $0x1  }
0x2: {  	[smem:$0x3F8F] =	sst lr;
	_ =	strace $0xD0000000  }
0x3: {  	_ = 	snop  }
0x4: {  	_ = 	snop  }
0x5: {  	_ = 	snop  }
0x6: {  	_ = 	snop  }
0x7: {  	_ = 	snop  }
__scs_overlays_trampoline_lowered:
0x8: {  	[smem:$0x3F9E] =	sst s0  }
0x9: {  	[smem:$0x3F9F] =	sst s1  }
0xa: {  	[smem:$0x3FA0] =	sst s2  }
0xb: {  	[smem:$0x3FA1] =	sst s3  }
0xc: {  	[smem:$0x3FA2] =	sst s4  }
0xd: {  	[smem:$0x3FA3] =	sst s5  }
0xe: {  	[smem:$0x3FA4] =	sst s6  }
0xf: {  	[smem:$0x3FA5] =	sst s7  }
0x10: {  	[smem:$0x3FA6] =	sst s8  }
0x11: {  	[smem:$0x3FA7] =	sst s9;
	s0 =	simm.s32 @!p0 $0x0  }
0x12: {  	s1 =	sld [smem:$0x3F8D];
	s0 =	simm.s32 @p0 $0x1  }
0x13: {  	[smem:$0x3FA8] =	sst s0;
	s0 =	simm.s32 @!p1 $0x0  }
0x14: {  	s2 =	sld [smem:$0x3F8C];
	s0 =	simm.s32 @p1 $0x1  }
0x15: {  	[smem:$0x3FA9] =	sst s0;
	s0 =	simm.s32 @!p2 $0x0  }
0x16: {  	s3 =	sld [smem:$0x3FDB];
	s0 =	simm.s32 @p2 $0x1  }
0x17: {  	s4 =	simm.s32 $0x1BF5;
	[smem:$0x3FAB] =	sst s0  }
0x18: {  	s0 =	sld [smem:$0x3F8E];
	_ =	swait.ge [sflag:s4], $0x0  }
0x19: {  	s7 =	sld [smem:$0x3F8F]  }
0x1a: {  	s8 =	sadd.s32 $0xFFFFE003, lr  }
0x1b: {  	s9 =	sadd.s32 $0xFFFFFEF7, lr;
	s5 =	simm.s32 $0xFFFFFFFF;
	p2 =	slt.u32 s8, $0xFFFFF086  }
0x1c: {  	p1 =	slt.u32 s9, $0xF7A;
	s5 =	simm.s32 @!p2 $0x0  }
0x1d: {  	s5 =	simm.s32 @p1 $0x1;
	p0 =	seq.s32 s7, s2  }
0x1e: {  	s7 =	smul.u32 @!p0 $0xF7A, s2;
	p2 =	seq.s32 @!p0 s5, $0x0  }
0x1f: {  	s9 =	smul.u32 $0xF7A, s1;
	s8 =	simm.s32 @!p0 $0x1BF5;
	p2 =	por !p2, p0  }
0x20: {  	[sflag:s8] =	ssyncset.s32 @!p0 $0xFFFFF086;
	s6 =	sadd.s32 @!p0 s3, s7;
	s7 =	simm.s32 @!p0 $0x108  }
0x21: {  	s3 =	sadd.s32 s3, s9;
	s6 =	sadd.s32 @!p0 $0x88, s6;
	s7 =	simm.s32 @p2 $0x1082  }
0x22: {  	[simem:s7], [sflag:s8] =	dma.local @!p0 [hbm:s6], $0xF7A  }
0x23: {  	s9 =	sor.u32 $0xD0000000, s2;
	s6 =	simm.s32 $0x108;
	_ =	swait.ge @!p0 [sflag:s8], $0x0  }
0x24: {  	s3 =	sadd.s32 $0x88, s3;
	s6 =	simm.s32 @!p1 $0x1082;
	[sflag:s4] =	ssyncset.s32 $0xFFFFF086  }
0x25: {  	[simem:s6], [sflag:s4] =	dma.local [hbm:s3], $0xF7A  }
0x26: {  	[smem:$0x3F8F] =	sst s1;
	(tag) =	ssettag s2;
	_ =	strace s9  }
0x27: {  	s1 =	sld [smem:$0x3F9F]  }
0x28: {  	s2 =	sld [smem:$0x3FA0]  }
0x29: {  	s4 =	sld [smem:$0x3FA2]  }
0x2a: {  	p0 =	seq.s32 s5, $0x0;
	s5 =	sld [smem:$0x3FA3]  }
0x2b: {  	s6 =	sld [smem:$0x3FA4]  }
0x2c: {  	s7 =	sld [smem:$0x3FA5]  }
0x2d: {  	s3 =	simm.s32 $0x108;
	s8 =	sld [smem:$0x3FA6]  }
0x2e: {  	s3 =	simm.s32 @!p0 $0x1082;
	s9 =	sld [smem:$0x3FA7]  }
0x2f: {  	lr =	sadd.s32 s0, s3;
	s0 =	sld [smem:$0x3F9E]  }
0x30: {  	s3 =	sld [smem:$0x3FA1]  }
0x31: {  	[smem:$0x3FAA] =	sst s10  }
0x32: {  	s10 =	sld [smem:$0x3FA8];
	_ =	sdelay $0x3  }
0x33: {  	p0 =	seq.s32 s10, $0x1;
	s10 =	sld [smem:$0x3FAA];
	_ =	sdelay $0x3  }
0x34: {  	[smem:$0x3FAA] =	sst s10  }
0x35: {  	s10 =	sld [smem:$0x3FA9];
	_ =	sdelay $0x3  }
0x36: {  	p1 =	seq.s32 s10, $0x1;
	s10 =	sld [smem:$0x3FAA];
	_ =	sdelay $0x3  }
0x37: {  	[smem:$0x3FAA] =	sst s10  }
0x38: {  	s10 =	sld [smem:$0x3FAB]  }
0x39: {  	_ = 	snop;
	(pc) =	sbr.ind lr, $3  }
0x3a: {  	_ = 	snop  }
0x3b: {  	_ = 	snop  }
0x3c: {  	p2 =	seq.s32 s10, $0x1;
	s10 =	sld [smem:$0x3FAA]  }
0x3d: {  	_ =	shalt  }
0x3e: {  	_ =	shalt  }
0x3f: {  	_ =	shalt  }
0x40: {  	_ =	shalt  }
0x41: {  	_ =	shalt  }
0x42: {  	_ =	shalt  }
0x43: {  	_ =	shalt  }
0x44: {  	_ =	shalt  }
0x45: {  	_ =	shalt  }
0x46: {  	_ =	shalt  }
0x47: {  	_ =	shalt  }
0x48: {  	_ =	shalt  }
0x49: {  	_ =	shalt  }
0x4a: {  	_ =	shalt  }
0x4b: {  	_ =	shalt  }
0x4c: {  	_ =	shalt  }
0x4d: {  	_ =	shalt  }
0x4e: {  	_ =	shalt  }
0x4f: {  	_ =	shalt  }
0x50: {  	_ =	shalt  }
0x51: {  	_ =	shalt  }
0x52: {  	_ =	shalt  }
0x53: {  	_ =	shalt  }
0x54: {  	_ =	shalt  }
0x55: {  	_ =	shalt  }
0x56: {  	_ =	shalt  }
0x57: {  	_ =	shalt  }
0x58: {  	_ =	shalt  }
0x59: {  	_ =	shalt  }
0x5a: {  	_ =	shalt  }
0x5b: {  	_ =	shalt  }
0x5c: {  	_ =	shalt  }
0x5d: {  	_ =	shalt  }
0x5e: {  	_ =	shalt  }
0x5f: {  	_ =	shalt  }
0x60: {  	_ =	shalt  }
0x61: {  	_ =	shalt  }
0x62: {  	_ =	shalt  }
0x63: {  	_ =	shalt  }
0x64: {  	_ =	shalt  }
0x65: {  	_ =	shalt  }
0x66: {  	_ =	shalt  }
0x67: {  	_ =	shalt  }
0x68: {  	_ =	shalt  }
0x69: {  	_ =	shalt  }
0x6a: {  	_ =	shalt  }
0x6b: {  	_ =	shalt  }
0x6c: {  	_ =	shalt  }
0x6d: {  	_ =	shalt  }
0x6e: {  	_ =	shalt  }
0x6f: {  	_ =	shalt  }
0x70: {  	_ =	shalt  }
0x71: {  	_ =	shalt  }
0x72: {  	_ =	shalt  }
0x73: {  	_ =	shalt  }
0x74: {  	_ =	shalt  }
0x75: {  	_ =	shalt  }
0x76: {  	_ =	shalt  }
0x77: {  	_ =	shalt  }
0x78: {  	_ =	shalt  }
0x79: {  	_ =	shalt  }
0x7a: {  	_ =	shalt  }
0x7b: {  	_ =	shalt  }
0x7c: {  	_ =	shalt  }
0x7d: {  	_ =	shalt  }
0x7e: {  	_ =	shalt  }
0x7f: {  	_ =	shalt  }
0x80: {  	_ =	shalt  }
0x81: {  	_ =	shalt  }
0x82: {  	_ =	shalt  }
0x83: {  	_ =	shalt  }
0x84: {  	_ =	shalt  }
0x85: {  	_ =	shalt  }
0x86: {  	_ =	shalt  }
0x87: {  	_ =	shalt  }
.Lfunc_end0:
.L_simem_size_0:
called_computation_lowered:
.L_overlay_start_0:
0x88: {  	s2 =	sld [smem:$0x3FD9]  }
0x89: {  	s3 =	sld [smem:$0x3FFE];
	_ =	sdelay $0x1  }
0x8a: {  	s1 =	srdreg.scid  }
0x8b: {  	s0 =	sand.u32 $0x1, s1  }
0x8c: {  	s17 =	sshll.u32 s0, $0xA;
	s2 =	sadd.s32 s3, s2  }
0x8d: {  	s2 =	sadd.s32 s2, s17  }
0x8e: {  	[smem:$0x3FB6] =	sst s2  }
0x8f: {  	_ = 	snop  }
0x90: {  	s2 =	sld [smem:$0x3FC9];
	(tm) =	ssettm $0x1  }
0x91: {  	s18 =	sld [smem:$0x3FFB];
	_ =	sdelay $0x3  }
0x92: {  	_ =	strace s18  }
0x93: {  	s3 =	sld [smem:$0x3FFC];
	_ =	sdelay $0x3  }
0x94: {  	_ =	strace s3  }
0x95: {  	s3 =	sld [smem:$0x3FFD];
	_ =	sdelay $0x3  }
0x96: {  	_ =	strace s3  }
0x97: {  	_ =	strace $0x8FFFFFFF  }
0x98: {  	s19 =	sld [smem:$0x3FDB];
	_ =	sdelay $0x1  }
0x99: {  	s4 =	simm.s32 $_scs_section_size  }
0x9a: {  	s5 =	simm.s32 $_size__tile_overlayer_lowered;
	s6 =	simm.s32 $_tile_overlayer_lowered  }
0x9b: {  	s22 =	simm.s32 $0x1BFF;
	s21 =	sshll.u32 s6, $0x1;
	s3 =	sadd.s32 s4, s19  }
0x9c: {  	s7 =	simm.s32 $0x0;
	s20 =	sshll.u32 s5, $0x1;
	s5 =	sadd.s32 s21, s3  }
0x9d: {  	[timem:s7], [sflag:s22] =	dma.local [hbm:s5], s20  }
0x9e: {  	_ =	swait.ge [sflag:s22], s20  }
0x9f: {  	s4 =	ssub.s32 $0x0, s20;
	[sflag:s22] =	ssyncset.done $0x0  }
0xa0: {  	[sflag:s22] =	ssyncadd.s32 s4;
	_ =	sdelay $0x1  }
0xa1: {  	s23 =	simm.s32 $0x1B8B  }
0xa2: {  	_ =	swait.ge [sflag:s23], $0x1  }
0xa3: {  	[sflag:s23] =	ssyncset.done $0x0  }
0xa4: {  	s25 =	simm.s32 $0x1B8E;
	s24 =	sld [smem:$0x3FFE];
	[sflag:s23] =	ssyncadd.s32 $0xFFFFFFFF  }
0xa5: {  	s26 =	simm.s32 $execute0_lowered;
	[smem:$0x3FD2] =	sst s25  }
0xa6: {  	s5 =	sshll.u32 s26, $0x1;
	_ =	strace $0x80000046;
	[dreg:$0x1] =	wrdreg $0xFFFFFFFF  }
0xa7: {  	s28 =	simm.s32 $_size_execute0_lowered;
	s3 =	sadd.s32 s3, s5;
	[dreg:$0x0] =	wrdreg $0x0  }
0xa8: {  	s5 =	sshll.u32 s28, $0x1;
	[dreg:$0x2] =	wrdreg s3  }
0xa9: {  	[dreg:$0x3] =	wrdreg s5  }
0xaa: {  	[dreg:$0x4] =	wrdreg $0xC0  }
0xab: {  	_ =	task [dreg:s7], $0x5FFFF  }
0xac: {  	[dreg:$0x1] =	wrdreg $0xFFFFFFFF  }
0xad: {  	[dreg:$0x0] =	wrdreg $0x60  }
0xae: {  	[dreg:$0x2] =	wrdreg s24  }
0xaf: {  	[dreg:$0x3] =	wrdreg s2  }
0xb0: {  	[dreg:$0x4] =	wrdreg $0x9  }
0xb1: {  	_ =	task.clear_ibuf [dreg:s7], $0x5FFFF;
	_ =	strace $0x90000046  }
0xb2: {  	s29 =	simm.s32 $0x9;
	_ =	strace $0x80000048  }
0xb3: {  	_ =	swait.ge [sflag:s29], $0x1  }
0xb4: {  	[sflag:s29] =	ssyncadd.s32 $0xFFFFFFFF  }
0xb5: {  	_ =	strace $0x90000048  }
0xb6: {  	_ =	sfence  }
0xb7: {  	s30 =	sld [smem:$0x0];
	_ =	sdelay $0x2  }
0xb8: {  	s31 =	sshll.u32 s1, $0xD;
	s1 =	sshrl.u32 s1, $0x2  }
0xb9: {  	s3 =	sand.u32 $0x4000, s31;
	s1 =	sadd.s32 s1, s30  }
0xba: {  	s0 =	sor.u32 s3, s0;
	s1 =	sshll.u32 s1, $0x11  }
0xbb: {  	s0 =	sor.u32 s1, s0  }
0xbc: {  	s0 =	sadd.s32 $0x8F2B, s0  }
0xbd: {  	[sflag:s0] =	ssyncadd.remote.s32 $0x1  }
0xbe: {  	_ =	sfence.sel $0xFFFF  }
0xbf: {  	[dreg:$0x0] =	wrdreg $0xFFFFFFFF;
	(pc) =	sbr.abs _section_cstart, $3  }
0xc0: {  	[dreg:$0x1] =	wrdreg $0xFFFFFFFF  }
0xc1: {  	_ =	task.clear_ibuf [dreg:s7], $0x2FFFF;
	_ =	strace $0x9FFFFFFF  }
0xc2: {  	(tm) =	ssettm $0x7FFFFFFF  }
0xc3: {  	_ =	shalt  }
tec
execute0_lowered:
.L_overlay_start_1:
0x0: {  	(tag) =	ssettag $0x1  }
0x1: {  	s7 =	rddreg [dreg:$0x0]  }
0x2: {  	s2 =	rddreg [dreg:$0x1]  }
0x3: {  	s0 =	rddreg [dreg:$0x2]  }
0x4: {  	s4 =	srdreg.scid;
	s1 =	stileid.u32;
	s3 =	simm.s32 $0x0  }
0x5: {  	s12 =	simm.s32 $0x1;
	s13 =	simm.s32 $0x2780;
	s14 =	simm.s32 $0x4F00  }
0x6: {  	s15 =	simm.s32 $0x7680;
	s16 =	simm.s32 $0x9E00;
	s17 =	simm.s32 $0xC580  }
0x7: {  	s18 =	simm.s32 $0xED00;
	s6 =	sand.u32 $0x1, s4;
	s30 =	sshll.u32 s1, $0x1  }
0x8: {  	s19 =	simm.s32 $0x11480;
	s20 =	simm.s32 $0x0;
	s4 =	sor.u32 s6, s30  }
0x9: {  	[smem:$0x7FF] =	sst s3;
	s9 =	ssub.s32 $0x2, s6;
	s8 =	smul.u32 $0x4E2, s4  }
0xa: {  	s5 =	sadd.s32 $0x16000, s7;
	_ =	strace $0x80000047;
	s31 =	sshrl.u32 s9, $0x1  }
0xb: {  	s6 =	sadd.s32 $0x15A00, s7;
	s11 =	ssub.s32 s9, s31;
	s10 =	sadd.s32 s8, s7  }
0xc: {  	s4 =	sadd.s32 $0x16600, s7;
	s11 =	smax.u32 s11, $0x1;
	s7 =	sadd.s32 $0x1E00, s10  }
0xd: {  	s8 =	sadd.s32 $0xBC00, s10;
	s9 =	sadd.s32 $0x20A00, s10;
	s10 =	sadd.s32 $0x16C00, s10  }
.LBB2_1:
0xe: {  	[tilespmem:s3], [sflag:$0x1] =	stream.linear.gather [hbm4b:s7+s3], $0x2710, $0x38;
	[tilespmem:$0x13C00] =	vst v63  }
0xf: {  	_ =	swait.ge [sflag:s12], $0x2710  }
0x10: {  	[sflag:s12] =	ssyncset.done $0x0  }
0x11: {  	[sflag:s12] =	ssyncadd.s32 $0xFFFFD8F0  }
0x12: {  	[tilespmem:s13], [sflag:$0x1] =	stream.linear.gather [hbm4b:s8+s3], $0x2710, $0x38;
	[tilespmem:$0x13C00] =	vst v63  }
0x13: {  	_ =	swait.ge [sflag:s12], $0x2710  }
0x14: {  	[sflag:s12] =	ssyncset.done $0x0  }
0x15: {  	[sflag:s12] =	ssyncadd.s32 $0xFFFFD8F0  }
0x16: {  	[tilespmem:s14], [sflag:$0x1] =	stream.linear.gather [hbm4b:s2+s3], $0x2780, $0x38;
	[tilespmem:$0x13C00] =	vst v63  }
0x17: {  	_ =	swait.ge [sflag:s12], $0x2780  }
0x18: {  	[sflag:s12] =	ssyncset.done $0x0  }
0x19: {  	[sflag:s12] =	ssyncadd.s32 $0xFFFFD880  }
0x1a: {  	[tilespmem:s15], [sflag:$0x1] =	stream.linear.gather [hbm4b:s4+s3], $0x2780, $0x38;
	[tilespmem:$0x13C00] =	vst v63  }
0x1b: {  	_ =	swait.ge [sflag:s12], $0x2780  }
0x1c: {  	[sflag:s12] =	ssyncset.done $0x0  }
0x1d: {  	[sflag:s12] =	ssyncadd.s32 $0xFFFFD880  }
0x1e: {  	[tilespmem:s16], [sflag:$0x1] =	stream.linear.gather [hbm4b:s5+s3], $0x2780, $0x38;
	[tilespmem:$0x13C00] =	vst v63  }
0x1f: {  	_ =	swait.ge [sflag:s12], $0x2780  }
0x20: {  	[sflag:s12] =	ssyncset.done $0x0  }
0x21: {  	[sflag:s12] =	ssyncadd.s32 $0xFFFFD880  }
0x22: {  	[tilespmem:s17], [sflag:$0x1] =	stream.linear.gather [hbm4b:s6+s3], $0x2780, $0x38;
	[tilespmem:$0x13C00] =	vst v63  }
0x23: {  	_ =	swait.ge [sflag:s12], $0x2780  }
0x24: {  	[sflag:s12] =	ssyncset.done $0x0  }
0x25: {  	s22 =	simm.s32 $0x0;
	[sflag:s12] =	ssyncadd.s32 $0xFFFFD880  }
0x26: {  	v0 =	vld [tilespmem:s22+$0x0];
	_ =	sdelay $0x2  }
0x27: {  	v6 =	vld [tilespmem:s22+$0x2780];
	_ =	sdelay $0x4  }
0x28: {  	v1 =	vld.idx.msk [tilespmem:v0+s17+$0x0], $0xffff  }
0x29: {  	v3 =	vld.idx.msk [tilespmem:v0+s15+$0x0], $0xffff  }
0x2a: {  	v2 =	vld.idx.msk [tilespmem:v0+s16+$0x0], $0xffff  }
0x2b: {  	v4 =	vld.idx.msk [tilespmem:v6+s17+$0x0], $0xffff  }
0x2c: {  	v5 =	vld.idx.msk [tilespmem:v6+s15+$0x0], $0xffff  }
0x2d: {  	s23 =	simm.s32 $0x80;
	s21 =	simm.s32 $0x10;
	v6 =	vld.idx.msk [tilespmem:v6+s16+$0x0], $0xffff  }
.LBB2_2:
0x2e: {  	p0 =	sne.s32 s23, $0x9C00;
	s24 =	smov.u32 s23;
	s23 =	sadd.s32 $0x40, s23  }
0x2f: {  	_ =	sdelay $0x1  }
0x30: {  	v1 =	vsub.f32 v1, v4  }
0x31: {  	v3 =	vsub.f32 v3, v5  }
0x32: {  	v2 =	vsub.f32 v2, v6;
	v4 =	vld [tilespmem:s21+$0x0]  }
0x33: {  	v5 =	vld.idx.msk [tilespmem:v0+s14+$0x0], $0xffff;
	v0 =	vmul.f32 v3, v3  }
0x34: {  	v2 =	vmul.f32 v2, v2  }
0x35: {  	v1 =	vmul.f32 v1, v1  }
0x36: {  	v2 =	vadd.f32 v2, v0;
	v6 =	vld [tilespmem:s21+$0x2780]  }
0x37: {  	v0 =	vmov v4  }
0x38: {  	v1 =	vadd.f32 v1, v2  }
0x39: {  	[tilespmem:s22+$0xED00] =	vst v5  }
0x3a: {  	[tilespmem:s22+$0x11480] =	vst v1;
	s22 =	smov.u32 s21  }
0x3b: {  	v1 =	vld.idx.msk [tilespmem:v4+s17+$0x0], $0xffff  }
.Ltmp0:
0x3c: {  	v3 =	vld.idx.msk [tilespmem:v4+s15+$0x0], $0xffff;
	(pc) =	sbr.rel @p0 .LBB2_2-.Ltmp0, $4  }
0x3d: {  	v2 =	vld.idx.msk [tilespmem:v4+s16+$0x0], $0xffff  }
0x3e: {  	s21 =	sshra.s32 s24, $0x2;
	v4 =	vld.idx.msk [tilespmem:v6+s17+$0x0], $0xffff  }
0x3f: {  	v5 =	vld.idx.msk [tilespmem:v6+s15+$0x0], $0xffff  }
0x40: {  	v6 =	vld.idx.msk [tilespmem:v6+s16+$0x0], $0xffff  }
0x41: {  	_ =	sdelay $0x3  }
0x42: {  	v3 =	vsub.f32 v3, v5;
	v2 =	vsub.f32 v2, v6  }
0x43: {  	v57 =	vld [tilespmem:s21+$0x0]  }
0x44: {  	v0 =	vld.idx.msk [tilespmem:v0+s14+$0x0], $0xffff;
	v1 =	vsub.f32 v1, v4;
	v3 =	vmul.f32 v3, v3;
	v2 =	vmul.f32 v2, v2  }
0x45: {  	v58 =	vld [tilespmem:s21+$0x2780]  }
0x46: {  	v1 =	vmul.f32 v1, v1;
	v2 =	vadd.f32 v2, v3;
	_ =	sdelay $0x1  }
0x47: {  	v1 =	vadd.f32 v1, v2  }
0x48: {  	[tilespmem:s22+$0xED00] =	vst v0  }
0x49: {  	[tilespmem:s22+$0x11480] =	vst v1  }
0x4a: {  	v0 =	vld.idx.msk [tilespmem:v57+s15+$0x0], $0xffff  }
0x4b: {  	v1 =	vld.idx.msk [tilespmem:v57+s16+$0x0], $0xffff  }
0x4c: {  	v59 =	vld.idx.msk [tilespmem:v58+s15+$0x0], $0xffff  }
0x4d: {  	v60 =	vld.idx.msk [tilespmem:v58+s16+$0x0], $0xffff  }
0x4e: {  	v61 =	vld.idx.msk [tilespmem:v57+s17+$0x0], $0xffff  }
0x4f: {  	v4 =	vld.idx.msk [tilespmem:v58+s17+$0x0], $0xffff;
	_ =	sdelay $0x2  }
0x50: {  	v0 =	vsub.f32 v0, v59;
	v1 =	vsub.f32 v1, v60;
	_ =	sdelay $0x1  }
0x51: {  	v63 =	vld.idx.msk [tilespmem:v57+s14+$0x0], $0xffff;
	v62 =	vsub.f32 v61, v4;
	v0 =	vmul.f32 v0, v0;
	v1 =	vmul.f32 v1, v1;
	_ =	sdelay $0x1  }
0x52: {  	v2 =	vmul.f32 v62, v62;
	v0 =	vadd.f32 v1, v0;
	_ =	sdelay $0x1  }
0x53: {  	v0 =	vadd.f32 v2, v0  }
0x54: {  	[tilespmem:s21+$0xED00] =	vst v63  }
0x55: {  	[tilespmem:s21+$0x11480] =	vst v0  }
0x56: {  	[hbm4b:s9+s3] =	stream.linear.scatter [tilespmem:s18], [sflag:$0x1], $0x2710, $0x38;
	[tilespmem:$0x13C00] =	vst v63  }
0x57: {  	s20 =	sadd.s32 $0x1, s20;
	_ =	swait.ge [sflag:s12], $0x2710  }
0x58: {  	p0 =	sne.s32 s20, s11;
	[sflag:s12] =	ssyncset.done $0x0  }
.Ltmp1:
0x59: {  	[sflag:s12] =	ssyncadd.s32 $0xFFFFD8F0;
	(pc) =	sbr.rel @p0 .LBB2_1-.Ltmp1, $4  }
0x5a: {  	[hbm4b:s10+s3] =	stream.linear.scatter [tilespmem:s19], [sflag:$0x1], $0x2710, $0x38;
	[tilespmem:$0x13C00] =	vst v63  }
0x5b: {  	_ =	swait.ge [sflag:s12], $0x2710  }
0x5c: {  	[sflag:s12] =	ssyncset.done $0x0  }
0x5d: {  	[sflag:s12] =	ssyncadd.s32 $0xFFFFD8F0  }
0x5e: {  	_ =	sfence.sel $0x180000  }
0x5f: {  	[bflag:$0x0] =	sbarrier.arrive $0xFFFF  }
0x60: {  	p0 =	sne.s32 s1, $0x0;
	_ =	strace $0x90000047  }
0x61: {  	s0 =	sadd.s32 @!p0 $0x100000, s0;
	[bflag:$0x2] =	sbarrier.arrive $0xFFFF  }
0x62: {  	[sflag:s0] =	ssyncadd.tile.s32 @!p0 $0x1;
	_ =	shalt  }
.Lfunc_end2:
_tile_overlayer_lowered:
.L_overlay_start_2:
0x63: {  	(tag) =	ssettag $0x2  }
0x64: {  	s0 =	rddreg [dreg:$0x0];
	s2 =	stileid.u32  }
0x65: {  	s1 =	rddreg [dreg:$0x1];
	p0 =	sne.s32 s2, $0x0  }
0x66: {  	s3 =	rddreg [dreg:$0x2];
	[bflag:$0x3] =	sbarrier.arrive $0xFFFF;
	s2 =	simm.s32 @!p0 $0x1C01  }
0x67: {  	[timem:s3], [sflag:s2] =	dma.local @!p0 [hbm:s0], s1  }
0x68: {  	s0 =	simm.s32 @!p0 $0x1  }
0x69: {  	_ =	swait.ge @!p0 [sflag:s0], s1  }
0x6a: {  	s1 =	ssub.s32 @!p0 $0x0, s1;
	[sflag:s0] =	ssyncset.done @!p0 $0x0  }
0x6b: {  	[sflag:s0] =	ssyncadd.s32 @!p0 s1  }
0x6c: {  	[bflag:$0x3] =	sbarrier.arrive $0xFFFF  }
0x6d: {  	_ =	shalt  }

</sc_bundles>
